<compile_context>
chip_gen: v7x
topology: tpu7x:2x2x1
jax: 0.10.2.dev20260603
libtpu: 0.0.44.dev20260713+nightly
codegen_flags: <defaults>
</compile_context>

<pallas_src>
import jax
import jax.numpy as jnp
from jax.experimental import pallas as pl
from jax.experimental.pallas import tpu as pltpu

B = 32
C = 768
HW = 1024
EPS = 1e-10
NBUF = 4
NCH = 4
CCH = C // NCH


def _kernel(x_hbm, quant_hbm, ind_ref, div_ref, perp_ref,
            in_buf, out_buf, qsum_ref, cnt_ref, in_sem, out_sem):
    b = pl.program_id(0)
    slot = jax.lax.rem(b, NBUF)

    def in_copy(bb, s, j):
        return pltpu.make_async_copy(
            x_hbm.at[bb, pl.ds(j * CCH, CCH)],
            in_buf.at[s, pl.ds(j * CCH, CCH)],
            in_sem.at[s, j])

    def out_copy(bb, s, j):
        return pltpu.make_async_copy(
            out_buf.at[s, pl.ds(j * CCH, CCH)],
            quant_hbm.at[bb, pl.ds(j * CCH, CCH)],
            out_sem.at[s, j])

    @pl.when(b == 0)
    def _warmup():
        for k in range(NBUF - 1):
            for j in range(NCH):
                in_copy(k, k, j).start()
        qsum_ref[...] = jnp.zeros_like(qsum_ref)
        cnt_ref[...] = jnp.zeros_like(cnt_ref)

    @pl.when(b + NBUF - 1 < B)
    def _prefetch():
        for j in range(NCH):
            in_copy(b + NBUF - 1, jax.lax.rem(b + NBUF - 1, NBUF), j).start()

    for j in range(NCH):
        in_copy(b, slot, j).wait()

    @pl.when(b >= NBUF)
    def _reclaim():
        for j in range(NCH):
            out_copy(b - NBUF, slot, j).wait()

    x = in_buf[slot]
    r = jnp.maximum(x, 0.0)
    s = jnp.sum(r, axis=0, keepdims=True)
    w = 1.0 / (s + EPS)

    m = jnp.max(r, axis=0, keepdims=True)
    ci = jax.lax.broadcasted_iota(jnp.int32, (C, HW), 0)
    idx = jnp.min(jnp.where(r == m, ci, C), axis=0, keepdims=True)

    hit = ci == idx
    out_buf[slot] = hit.astype(jnp.int8)
    ind_ref[0] = idx

    qsum_ref[...] += jnp.sum(r * w, axis=1, keepdims=True)
    cnt_ref[...] += jnp.sum(hit.astype(jnp.float32), axis=1, keepdims=True)

    for j in range(NCH):
        out_copy(b, slot, j).start()

    @pl.when(b == B - 1)
    def _drain():
        for k in range(NBUF):
            bb = B - NBUF + k
            for j in range(NCH):
                out_copy(bb, jax.lax.rem(bb, NBUF), j).wait()
        n = float(B * HW)
        q_bar = qsum_ref[...] / n
        div_ref[...] = jnp.mean((q_bar * C - 1.0) ** 2, keepdims=True)
        p = cnt_ref[...] / n
        perp_ref[...] = jnp.exp(-jnp.sum(p * jnp.log(p + 1e-10), keepdims=True))


@jax.jit
def kernel(x):
    xr = x.reshape(B, C, HW)
    quant, ind, div, perp = pl.pallas_call(
        _kernel,
        grid=(B,),
        in_specs=[pl.BlockSpec(memory_space=pltpu.MemorySpace.HBM)],
        out_specs=[
            pl.BlockSpec(memory_space=pltpu.MemorySpace.HBM),
            pl.BlockSpec((1, 1, HW), lambda b: (b, 0, 0)),
            pl.BlockSpec((1, 1), lambda b: (0, 0)),
            pl.BlockSpec((1, 1), lambda b: (0, 0)),
        ],
        out_shape=[
            jax.ShapeDtypeStruct((B, C, HW), jnp.int8),
            jax.ShapeDtypeStruct((B, 1, HW), jnp.int32),
            jax.ShapeDtypeStruct((1, 1), jnp.float32),
            jax.ShapeDtypeStruct((1, 1), jnp.float32),
        ],
        scratch_shapes=[
            pltpu.VMEM((NBUF, C, HW), jnp.float32),
            pltpu.VMEM((NBUF, C, HW), jnp.int8),
            pltpu.VMEM((C, 1), jnp.float32),
            pltpu.VMEM((C, 1), jnp.float32),
            pltpu.SemaphoreType.DMA((NBUF, NCH)),
            pltpu.SemaphoreType.DMA((NBUF, NCH)),
        ],
    )(xr)
    quantize = quant.astype(jnp.float32).reshape(B, C, 32, 32)
    embed_ind = ind.reshape(B, 32, 32)
    return (quantize, div[0, 0], embed_ind, perp[0, 0])

# --- scband reference (transcript-rebuilt; emitter-appended) ---
"""Pipeline reference for scband-aquantize-60103772340318 (READ-ONLY COPY).

The authoritative reference and input builder live on the scoring server;
editing this copy changes nothing except your own understanding.
"""

import jax, jax.numpy as jnp
import numpy as np

DIM = 768
EPS = 1e-10

def setup_inputs(seed: int = 0) -> dict:
    key = jax.random.key(seed)
    x = jax.random.normal(key, (32, DIM, 32, 32), dtype=jnp.float32)
    return {"x": x}

def reference(x):
    # x: [B, C, H, W], C == dim
    x = jax.nn.relu(x)
    x = x / (jnp.sum(x, axis=1, keepdims=True) + EPS)
    embed_ind = jnp.argmax(x, axis=1)  # [B, H, W]
    one_hot = jax.nn.one_hot(embed_ind, DIM, axis=1, dtype=jnp.float32)  # [B, C, H, W]
    quantize = x + jax.lax.stop_gradient(one_hot - x)
    diff = jnp.mean((jax.lax.stop_gradient(quantize) - x) ** 2)  # computed but not returned, as in torch
    quantize = x + jax.lax.stop_gradient(quantize - x)
    avg_probs = jnp.mean(one_hot, axis=(0, 2, 3))
    perplexity = jnp.exp(-jnp.sum(avg_probs * jnp.log(avg_probs + 1e-10)))
    q_bar = jnp.mean(x, axis=(0, 2, 3))
    diversity = jnp.mean((q_bar * DIM - 1.0) ** 2)
    return (quantize, diversity, embed_ind, perplexity)

if __name__ == "__main__":
    import jax
    _d = setup_inputs()
    print(jax.jit(kernel)(*tuple(_d.values())))

</pallas_src>

<mosaic_0001>
module attributes {stable_mosaic.version = 14 : i64} {
  func.func @_kernel(%arg0: i32, %arg1: memref<32x768x1024xf32, #tpu.memory_space<hbm>>, %arg2: memref<32x768x1024xi8, #tpu.memory_space<hbm>>, %arg3: memref<1x1x1024xi32, #tpu.memory_space<vmem>>, %arg4: memref<1x1xf32, #tpu.memory_space<vmem>>, %arg5: memref<1x1xf32, #tpu.memory_space<vmem>>, %arg6: memref<4x768x1024xf32, #tpu.memory_space<vmem>>, %arg7: memref<4x768x1024xi8, #tpu.memory_space<vmem>>, %arg8: memref<768x1xf32, #tpu.memory_space<vmem>>, %arg9: memref<768x1xf32, #tpu.memory_space<vmem>>, %arg10: memref<4x4x!tpu.dma_semaphore, #tpu.memory_space<semaphore_mem>>, %arg11: memref<4x4x!tpu.dma_semaphore, #tpu.memory_space<semaphore_mem>>) attributes {dimension_semantics = [#tpu.dimension_semantics<arbitrary>], iteration_bounds = array<i64: 32>, scalar_prefetch = 0 : i64, scratch_operands = 6 : i64, tpu.core_type = #tpu.core_type<tc>, window_params = [{}, {}, {transform_indices = @transform_2, window_bounds = array<i64: 1, 1, 1024>}, {pipeline_mode = #tpu.pipeline_mode<synchronous>, transform_indices = @transform_3, window_bounds = array<i64: 1, 1>}, {pipeline_mode = #tpu.pipeline_mode<synchronous>, transform_indices = @transform_4, window_bounds = array<i64: 1, 1>}]} {
    %rem3A = arith.constant 4 : i32
    %rem3A_0 = arith.remsi %arg0, %rem3A : i32
    %eq3A = arith.constant 0 : i32
    %eq3A_1 = arith.cmpi eq, %arg0, %eq3A : i32
    %convert_element_type3A = arith.extui %eq3A_1 : i1 to i32
    %cond3A = arith.constant 0 : i32
    %cond3A_2 = arith.cmpi ne, %convert_element_type3A, %cond3A : i32
    scf.if %cond3A_2 {
      %dma_start3A_160 = arith.constant 0 : i32
      %dma_start3A_161 = arith.constant 0 : i32
      %dma_start3A_162 = arith.constant 0 : i32
      %dma_start3A_163 = arith.constant 0 : i32
      %dma_start3A_164 = tpu.memref_slice %arg10[%dma_start3A_162, %dma_start3A_163] : memref<4x4x!tpu.dma_semaphore, #tpu.memory_space<semaphore_mem>> -> memref<1x1x!tpu.dma_semaphore, #tpu.memory_space<semaphore_mem>>
      %dma_start3A_165 = tpu.memref_squeeze %dma_start3A_164 : memref<1x1x!tpu.dma_semaphore, #tpu.memory_space<semaphore_mem>> -> memref<!tpu.dma_semaphore, #tpu.memory_space<semaphore_mem>>
      %dma_start3A_166 = arith.constant 0 : i32
      %dma_start3A_167 = arith.constant 0 : i32
      %dma_start3A_168 = tpu.memref_slice %arg6[%dma_start3A_161, %dma_start3A_166, %dma_start3A_167] : memref<4x768x1024xf32, #tpu.memory_space<vmem>> -> memref<1x192x1024xf32, #tpu.memory_space<vmem>>
      %dma_start3A_169 = tpu.memref_squeeze %dma_start3A_168 : memref<1x192x1024xf32, #tpu.memory_space<vmem>> -> memref<192x1024xf32, #tpu.memory_space<vmem>>
      %dma_start3A_170 = arith.constant 0 : i32
      %dma_start3A_171 = arith.constant 0 : i32
      %dma_start3A_172 = tpu.memref_slice %arg1[%dma_start3A_160, %dma_start3A_170, %dma_start3A_171] : memref<32x768x1024xf32, #tpu.memory_space<hbm>> -> memref<1x192x1024xf32, #tpu.memory_space<hbm>>
      %dma_start3A_173 = tpu.memref_squeeze %dma_start3A_172 : memref<1x192x1024xf32, #tpu.memory_space<hbm>> -> memref<192x1024xf32, #tpu.memory_space<hbm>>
      tpu.enqueue_dma source(%dma_start3A_173 : memref<192x1024xf32, #tpu.memory_space<hbm>>) target(%dma_start3A_169 : memref<192x1024xf32, #tpu.memory_space<vmem>>) target_semaphore(%dma_start3A_165 : memref<!tpu.dma_semaphore, #tpu.memory_space<semaphore_mem>>)
      %dma_start3A_174 = arith.constant 0 : i32
      %dma_start3A_175 = arith.constant 0 : i32
      %dma_start3A_176 = arith.constant 0 : i32
      %dma_start3A_177 = arith.constant 1 : i32
      %dma_start3A_178 = tpu.memref_slice %arg10[%dma_start3A_176, %dma_start3A_177] : memref<4x4x!tpu.dma_semaphore, #tpu.memory_space<semaphore_mem>> -> memref<1x1x!tpu.dma_semaphore, #tpu.memory_space<semaphore_mem>>
      %dma_start3A_179 = tpu.memref_squeeze %dma_start3A_178 : memref<1x1x!tpu.dma_semaphore, #tpu.memory_space<semaphore_mem>> -> memref<!tpu.dma_semaphore, #tpu.memory_space<semaphore_mem>>
      %dma_start3A_180 = arith.constant 192 : i32
      %dma_start3A_181 = arith.constant 0 : i32
      %dma_start3A_182 = tpu.memref_slice %arg6[%dma_start3A_175, %dma_start3A_180, %dma_start3A_181] : memref<4x768x1024xf32, #tpu.memory_space<vmem>> -> memref<1x192x1024xf32, #tpu.memory_space<vmem>>
      %dma_start3A_183 = tpu.memref_squeeze %dma_start3A_182 : memref<1x192x1024xf32, #tpu.memory_space<vmem>> -> memref<192x1024xf32, #tpu.memory_space<vmem>>
      %dma_start3A_184 = arith.constant 192 : i32
      %dma_start3A_185 = arith.constant 0 : i32
      %dma_start3A_186 = tpu.memref_slice %arg1[%dma_start3A_174, %dma_start3A_184, %dma_start3A_185] : memref<32x768x1024xf32, #tpu.memory_space<hbm>> -> memref<1x192x1024xf32, #tpu.memory_space<hbm>>
      %dma_start3A_187 = tpu.memref_squeeze %dma_start3A_186 : memref<1x192x1024xf32, #tpu.memory_space<hbm>> -> memref<192x1024xf32, #tpu.memory_space<hbm>>
      tpu.enqueue_dma source(%dma_start3A_187 : memref<192x1024xf32, #tpu.memory_space<hbm>>) target(%dma_start3A_183 : memref<192x1024xf32, #tpu.memory_space<vmem>>) target_semaphore(%dma_start3A_179 : memref<!tpu.dma_semaphore, #tpu.memory_space<semaphore_mem>>)
      %dma_start3A_188 = arith.constant 0 : i32
      %dma_start3A_189 = arith.constant 0 : i32
      %dma_start3A_190 = arith.constant 0 : i32
      %dma_start3A_191 = arith.constant 2 : i32
      %dma_start3A_192 = tpu.memref_slice %arg10[%dma_start3A_190, %dma_start3A_191] : memref<4x4x!tpu.dma_semaphore, #tpu.memory_space<semaphore_mem>> -> memref<1x1x!tpu.dma_semaphore, #tpu.memory_space<semaphore_mem>>
      %dma_start3A_193 = tpu.memref_squeeze %dma_start3A_192 : memref<1x1x!tpu.dma_semaphore, #tpu.memory_space<semaphore_mem>> -> memref<!tpu.dma_semaphore, #tpu.memory_space<semaphore_mem>>
      %dma_start3A_194 = arith.constant 384 : i32
      %dma_start3A_195 = arith.constant 0 : i32
      %dma_start3A_196 = tpu.memref_slice %arg6[%dma_start3A_189, %dma_start3A_194, %dma_start3A_195] : memref<4x768x1024xf32, #tpu.memory_space<vmem>> -> memref<1x192x1024xf32, #tpu.memory_space<vmem>>
      %dma_start3A_197 = tpu.memref_squeeze %dma_start3A_196 : memref<1x192x1024xf32, #tpu.memory_space<vmem>> -> memref<192x1024xf32, #tpu.memory_space<vmem>>
      %dma_start3A_198 = arith.constant 384 : i32
      %dma_start3A_199 = arith.constant 0 : i32
      %dma_start3A_200 = tpu.memref_slice %arg1[%dma_start3A_188, %dma_start3A_198, %dma_start3A_199] : memref<32x768x1024xf32, #tpu.memory_space<hbm>> -> memref<1x192x1024xf32, #tpu.memory_space<hbm>>
      %dma_start3A_201 = tpu.memref_squeeze %dma_start3A_200 : memref<1x192x1024xf32, #tpu.memory_space<hbm>> -> memref<192x1024xf32, #tpu.memory_space<hbm>>
      tpu.enqueue_dma source(%dma_start3A_201 : memref<192x1024xf32, #tpu.memory_space<hbm>>) target(%dma_start3A_197 : memref<192x1024xf32, #tpu.memory_space<vmem>>) target_semaphore(%dma_start3A_193 : memref<!tpu.dma_semaphore, #tpu.memory_space<semaphore_mem>>)
      %dma_start3A_202 = arith.constant 0 : i32
      %dma_start3A_203 = arith.constant 0 : i32
      %dma_start3A_204 = arith.constant 0 : i32
      %dma_start3A_205 = arith.constant 3 : i32
      %dma_start3A_206 = tpu.memref_slice %arg10[%dma_start3A_204, %dma_start3A_205] : memref<4x4x!tpu.dma_semaphore, #tpu.memory_space<semaphore_mem>> -> memref<1x1x!tpu.dma_semaphore, #tpu.memory_space<semaphore_mem>>
      %dma_start3A_207 = tpu.memref_squeeze %dma_start3A_206 : memref<1x1x!tpu.dma_semaphore, #tpu.memory_space<semaphore_mem>> -> memref<!tpu.dma_semaphore, #tpu.memory_space<semaphore_mem>>
      %dma_start3A_208 = arith.constant 576 : i32
      %dma_start3A_209 = arith.constant 0 : i32
      %dma_start3A_210 = tpu.memref_slice %arg6[%dma_start3A_203, %dma_start3A_208, %dma_start3A_209] : memref<4x768x1024xf32, #tpu.memory_space<vmem>> -> memref<1x192x1024xf32, #tpu.memory_space<vmem>>
      %dma_start3A_211 = tpu.memref_squeeze %dma_start3A_210 : memref<1x192x1024xf32, #tpu.memory_space<vmem>> -> memref<192x1024xf32, #tpu.memory_space<vmem>>
      %dma_start3A_212 = arith.constant 576 : i32
      %dma_start3A_213 = arith.constant 0 : i32
      %dma_start3A_214 = tpu.memref_slice %arg1[%dma_start3A_202, %dma_start3A_212, %dma_start3A_213] : memref<32x768x1024xf32, #tpu.memory_space<hbm>> -> memref<1x192x1024xf32, #tpu.memory_space<hbm>>
      %dma_start3A_215 = tpu.memref_squeeze %dma_start3A_214 : memref<1x192x1024xf32, #tpu.memory_space<hbm>> -> memref<192x1024xf32, #tpu.memory_space<hbm>>
      tpu.enqueue_dma source(%dma_start3A_215 : memref<192x1024xf32, #tpu.memory_space<hbm>>) target(%dma_start3A_211 : memref<192x1024xf32, #tpu.memory_space<vmem>>) target_semaphore(%dma_start3A_207 : memref<!tpu.dma_semaphore, #tpu.memory_space<semaphore_mem>>)
      %dma_start3A_216 = arith.constant 1 : i32
      %dma_start3A_217 = arith.constant 1 : i32
      %dma_start3A_218 = arith.constant 1 : i32
      %dma_start3A_219 = arith.constant 0 : i32
      %dma_start3A_220 = tpu.memref_slice %arg10[%dma_start3A_218, %dma_start3A_219] : memref<4x4x!tpu.dma_semaphore, #tpu.memory_space<semaphore_mem>> -> memref<1x1x!tpu.dma_semaphore, #tpu.memory_space<semaphore_mem>>
      %dma_start3A_221 = tpu.memref_squeeze %dma_start3A_220 : memref<1x1x!tpu.dma_semaphore, #tpu.memory_space<semaphore_mem>> -> memref<!tpu.dma_semaphore, #tpu.memory_space<semaphore_mem>>
      %dma_start3A_222 = arith.constant 0 : i32
      %dma_start3A_223 = arith.constant 0 : i32
      %dma_start3A_224 = tpu.memref_slice %arg6[%dma_start3A_217, %dma_start3A_222, %dma_start3A_223] : memref<4x768x1024xf32, #tpu.memory_space<vmem>> -> memref<1x192x1024xf32, #tpu.memory_space<vmem>>
      %dma_start3A_225 = tpu.memref_squeeze %dma_start3A_224 : memref<1x192x1024xf32, #tpu.memory_space<vmem>> -> memref<192x1024xf32, #tpu.memory_space<vmem>>
      %dma_start3A_226 = arith.constant 0 : i32
      %dma_start3A_227 = arith.constant 0 : i32
      %dma_start3A_228 = tpu.memref_slice %arg1[%dma_start3A_216, %dma_start3A_226, %dma_start3A_227] : memref<32x768x1024xf32, #tpu.memory_space<hbm>> -> memref<1x192x1024xf32, #tpu.memory_space<hbm>>
      %dma_start3A_229 = tpu.memref_squeeze %dma_start3A_228 : memref<1x192x1024xf32, #tpu.memory_space<hbm>> -> memref<192x1024xf32, #tpu.memory_space<hbm>>
      tpu.enqueue_dma source(%dma_start3A_229 : memref<192x1024xf32, #tpu.memory_space<hbm>>) target(%dma_start3A_225 : memref<192x1024xf32, #tpu.memory_space<vmem>>) target_semaphore(%dma_start3A_221 : memref<!tpu.dma_semaphore, #tpu.memory_space<semaphore_mem>>)
      %dma_start3A_230 = arith.constant 1 : i32
      %dma_start3A_231 = arith.constant 1 : i32
      %dma_start3A_232 = arith.constant 1 : i32
      %dma_start3A_233 = arith.constant 1 : i32
      %dma_start3A_234 = tpu.memref_slice %arg10[%dma_start3A_232, %dma_start3A_233] : memref<4x4x!tpu.dma_semaphore, #tpu.memory_space<semaphore_mem>> -> memref<1x1x!tpu.dma_semaphore, #tpu.memory_space<semaphore_mem>>
      %dma_start3A_235 = tpu.memref_squeeze %dma_start3A_234 : memref<1x1x!tpu.dma_semaphore, #tpu.memory_space<semaphore_mem>> -> memref<!tpu.dma_semaphore, #tpu.memory_space<semaphore_mem>>
      %dma_start3A_236 = arith.constant 192 : i32
      %dma_start3A_237 = arith.constant 0 : i32
      %dma_start3A_238 = tpu.memref_slice %arg6[%dma_start3A_231, %dma_start3A_236, %dma_start3A_237] : memref<4x768x1024xf32, #tpu.memory_space<vmem>> -> memref<1x192x1024xf32, #tpu.memory_space<vmem>>
      %dma_start3A_239 = tpu.memref_squeeze %dma_start3A_238 : memref<1x192x1024xf32, #tpu.memory_space<vmem>> -> memref<192x1024xf32, #tpu.memory_space<vmem>>
      %dma_start3A_240 = arith.constant 192 : i32
      %dma_start3A_241 = arith.constant 0 : i32
      %dma_start3A_242 = tpu.memref_slice %arg1[%dma_start3A_230, %dma_start3A_240, %dma_start3A_241] : memref<32x768x1024xf32, #tpu.memory_space<hbm>> -> memref<1x192x1024xf32, #tpu.memory_space<hbm>>
      %dma_start3A_243 = tpu.memref_squeeze %dma_start3A_242 : memref<1x192x1024xf32, #tpu.memory_space<hbm>> -> memref<192x1024xf32, #tpu.memory_space<hbm>>
      tpu.enqueue_dma source(%dma_start3A_243 : memref<192x1024xf32, #tpu.memory_space<hbm>>) target(%dma_start3A_239 : memref<192x1024xf32, #tpu.memory_space<vmem>>) target_semaphore(%dma_start3A_235 : memref<!tpu.dma_semaphore, #tpu.memory_space<semaphore_mem>>)
      %dma_start3A_244 = arith.constant 1 : i32
      %dma_start3A_245 = arith.constant 1 : i32
      %dma_start3A_246 = arith.constant 1 : i32
      %dma_start3A_247 = arith.constant 2 : i32
      %dma_start3A_248 = tpu.memref_slice %arg10[%dma_start3A_246, %dma_start3A_247] : memref<4x4x!tpu.dma_semaphore, #tpu.memory_space<semaphore_mem>> -> memref<1x1x!tpu.dma_semaphore, #tpu.memory_space<semaphore_mem>>
      %dma_start3A_249 = tpu.memref_squeeze %dma_start3A_248 : memref<1x1x!tpu.dma_semaphore, #tpu.memory_space<semaphore_mem>> -> memref<!tpu.dma_semaphore, #tpu.memory_space<semaphore_mem>>
      %dma_start3A_250 = arith.constant 384 : i32
      %dma_start3A_251 = arith.constant 0 : i32
      %dma_start3A_252 = tpu.memref_slice %arg6[%dma_start3A_245, %dma_start3A_250, %dma_start3A_251] : memref<4x768x1024xf32, #tpu.memory_space<vmem>> -> memref<1x192x1024xf32, #tpu.memory_space<vmem>>
      %dma_start3A_253 = tpu.memref_squeeze %dma_start3A_252 : memref<1x192x1024xf32, #tpu.memory_space<vmem>> -> memref<192x1024xf32, #tpu.memory_space<vmem>>
      %dma_start3A_254 = arith.constant 384 : i32
      %dma_start3A_255 = arith.constant 0 : i32
      %dma_start3A_256 = tpu.memref_slice %arg1[%dma_start3A_244, %dma_start3A_254, %dma_start3A_255] : memref<32x768x1024xf32, #tpu.memory_space<hbm>> -> memref<1x192x1024xf32, #tpu.memory_space<hbm>>
      %dma_start3A_257 = tpu.memref_squeeze %dma_start3A_256 : memref<1x192x1024xf32, #tpu.memory_space<hbm>> -> memref<192x1024xf32, #tpu.memory_space<hbm>>
      tpu.enqueue_dma source(%dma_start3A_257 : memref<192x1024xf32, #tpu.memory_space<hbm>>) target(%dma_start3A_253 : memref<192x1024xf32, #tpu.memory_space<vmem>>) target_semaphore(%dma_start3A_249 : memref<!tpu.dma_semaphore, #tpu.memory_space<semaphore_mem>>)
      %dma_start3A_258 = arith.constant 1 : i32
      %dma_start3A_259 = arith.constant 1 : i32
      %dma_start3A_260 = arith.constant 1 : i32
      %dma_start3A_261 = arith.constant 3 : i32
      %dma_start3A_262 = tpu.memref_slice %arg10[%dma_start3A_260, %dma_start3A_261] : memref<4x4x!tpu.dma_semaphore, #tpu.memory_space<semaphore_mem>> -> memref<1x1x!tpu.dma_semaphore, #tpu.memory_space<semaphore_mem>>
      %dma_start3A_263 = tpu.memref_squeeze %dma_start3A_262 : memref<1x1x!tpu.dma_semaphore, #tpu.memory_space<semaphore_mem>> -> memref<!tpu.dma_semaphore, #tpu.memory_space<semaphore_mem>>
      %dma_start3A_264 = arith.constant 576 : i32
      %dma_start3A_265 = arith.constant 0 : i32
      %dma_start3A_266 = tpu.memref_slice %arg6[%dma_start3A_259, %dma_start3A_264, %dma_start3A_265] : memref<4x768x1024xf32, #tpu.memory_space<vmem>> -> memref<1x192x1024xf32, #tpu.memory_space<vmem>>
      %dma_start3A_267 = tpu.memref_squeeze %dma_start3A_266 : memref<1x192x1024xf32, #tpu.memory_space<vmem>> -> memref<192x1024xf32, #tpu.memory_space<vmem>>
      %dma_start3A_268 = arith.constant 576 : i32
      %dma_start3A_269 = arith.constant 0 : i32
      %dma_start3A_270 = tpu.memref_slice %arg1[%dma_start3A_258, %dma_start3A_268, %dma_start3A_269] : memref<32x768x1024xf32, #tpu.memory_space<hbm>> -> memref<1x192x1024xf32, #tpu.memory_space<hbm>>
      %dma_start3A_271 = tpu.memref_squeeze %dma_start3A_270 : memref<1x192x1024xf32, #tpu.memory_space<hbm>> -> memref<192x1024xf32, #tpu.memory_space<hbm>>
      tpu.enqueue_dma source(%dma_start3A_271 : memref<192x1024xf32, #tpu.memory_space<hbm>>) target(%dma_start3A_267 : memref<192x1024xf32, #tpu.memory_space<vmem>>) target_semaphore(%dma_start3A_263 : memref<!tpu.dma_semaphore, #tpu.memory_space<semaphore_mem>>)
      %dma_start3A_272 = arith.constant 2 : i32
      %dma_start3A_273 = arith.constant 2 : i32
      %dma_start3A_274 = arith.constant 2 : i32
      %dma_start3A_275 = arith.constant 0 : i32
      %dma_start3A_276 = tpu.memref_slice %arg10[%dma_start3A_274, %dma_start3A_275] : memref<4x4x!tpu.dma_semaphore, #tpu.memory_space<semaphore_mem>> -> memref<1x1x!tpu.dma_semaphore, #tpu.memory_space<semaphore_mem>>
      %dma_start3A_277 = tpu.memref_squeeze %dma_start3A_276 : memref<1x1x!tpu.dma_semaphore, #tpu.memory_space<semaphore_mem>> -> memref<!tpu.dma_semaphore, #tpu.memory_space<semaphore_mem>>
      %dma_start3A_278 = arith.constant 0 : i32
      %dma_start3A_279 = arith.constant 0 : i32
      %dma_start3A_280 = tpu.memref_slice %arg6[%dma_start3A_273, %dma_start3A_278, %dma_start3A_279] : memref<4x768x1024xf32, #tpu.memory_space<vmem>> -> memref<1x192x1024xf32, #tpu.memory_space<vmem>>
      %dma_start3A_281 = tpu.memref_squeeze %dma_start3A_280 : memref<1x192x1024xf32, #tpu.memory_space<vmem>> -> memref<192x1024xf32, #tpu.memory_space<vmem>>
      %dma_start3A_282 = arith.constant 0 : i32
      %dma_start3A_283 = arith.constant 0 : i32
      %dma_start3A_284 = tpu.memref_slice %arg1[%dma_start3A_272, %dma_start3A_282, %dma_start3A_283] : memref<32x768x1024xf32, #tpu.memory_space<hbm>> -> memref<1x192x1024xf32, #tpu.memory_space<hbm>>
      %dma_start3A_285 = tpu.memref_squeeze %dma_start3A_284 : memref<1x192x1024xf32, #tpu.memory_space<hbm>> -> memref<192x1024xf32, #tpu.memory_space<hbm>>
      tpu.enqueue_dma source(%dma_start3A_285 : memref<192x1024xf32, #tpu.memory_space<hbm>>) target(%dma_start3A_281 : memref<192x1024xf32, #tpu.memory_space<vmem>>) target_semaphore(%dma_start3A_277 : memref<!tpu.dma_semaphore, #tpu.memory_space<semaphore_mem>>)
      %dma_start3A_286 = arith.constant 2 : i32
      %dma_start3A_287 = arith.constant 2 : i32
      %dma_start3A_288 = arith.constant 2 : i32
      %dma_start3A_289 = arith.constant 1 : i32
      %dma_start3A_290 = tpu.memref_slice %arg10[%dma_start3A_288, %dma_start3A_289] : memref<4x4x!tpu.dma_semaphore, #tpu.memory_space<semaphore_mem>> -> memref<1x1x!tpu.dma_semaphore, #tpu.memory_space<semaphore_mem>>
      %dma_start3A_291 = tpu.memref_squeeze %dma_start3A_290 : memref<1x1x!tpu.dma_semaphore, #tpu.memory_space<semaphore_mem>> -> memref<!tpu.dma_semaphore, #tpu.memory_space<semaphore_mem>>
      %dma_start3A_292 = arith.constant 192 : i32
      %dma_start3A_293 = arith.constant 0 : i32
      %dma_start3A_294 = tpu.memref_slice %arg6[%dma_start3A_287, %dma_start3A_292, %dma_start3A_293] : memref<4x768x1024xf32, #tpu.memory_space<vmem>> -> memref<1x192x1024xf32, #tpu.memory_space<vmem>>
      %dma_start3A_295 = tpu.memref_squeeze %dma_start3A_294 : memref<1x192x1024xf32, #tpu.memory_space<vmem>> -> memref<192x1024xf32, #tpu.memory_space<vmem>>
      %dma_start3A_296 = arith.constant 192 : i32
      %dma_start3A_297 = arith.constant 0 : i32
      %dma_start3A_298 = tpu.memref_slice %arg1[%dma_start3A_286, %dma_start3A_296, %dma_start3A_297] : memref<32x768x1024xf32, #tpu.memory_space<hbm>> -> memref<1x192x1024xf32, #tpu.memory_space<hbm>>
      %dma_start3A_299 = tpu.memref_squeeze %dma_start3A_298 : memref<1x192x1024xf32, #tpu.memory_space<hbm>> -> memref<192x1024xf32, #tpu.memory_space<hbm>>
      tpu.enqueue_dma source(%dma_start3A_299 : memref<192x1024xf32, #tpu.memory_space<hbm>>) target(%dma_start3A_295 : memref<192x1024xf32, #tpu.memory_space<vmem>>) target_semaphore(%dma_start3A_291 : memref<!tpu.dma_semaphore, #tpu.memory_space<semaphore_mem>>)
      %dma_start3A_300 = arith.constant 2 : i32
      %dma_start3A_301 = arith.constant 2 : i32
      %dma_start3A_302 = arith.constant 2 : i32
      %dma_start3A_303 = arith.constant 2 : i32
      %dma_start3A_304 = tpu.memref_slice %arg10[%dma_start3A_302, %dma_start3A_303] : memref<4x4x!tpu.dma_semaphore, #tpu.memory_space<semaphore_mem>> -> memref<1x1x!tpu.dma_semaphore, #tpu.memory_space<semaphore_mem>>
      %dma_start3A_305 = tpu.memref_squeeze %dma_start3A_304 : memref<1x1x!tpu.dma_semaphore, #tpu.memory_space<semaphore_mem>> -> memref<!tpu.dma_semaphore, #tpu.memory_space<semaphore_mem>>
      %dma_start3A_306 = arith.constant 384 : i32
      %dma_start3A_307 = arith.constant 0 : i32
      %dma_start3A_308 = tpu.memref_slice %arg6[%dma_start3A_301, %dma_start3A_306, %dma_start3A_307] : memref<4x768x1024xf32, #tpu.memory_space<vmem>> -> memref<1x192x1024xf32, #tpu.memory_space<vmem>>
      %dma_start3A_309 = tpu.memref_squeeze %dma_start3A_308 : memref<1x192x1024xf32, #tpu.memory_space<vmem>> -> memref<192x1024xf32, #tpu.memory_space<vmem>>
      %dma_start3A_310 = arith.constant 384 : i32
      %dma_start3A_311 = arith.constant 0 : i32
      %dma_start3A_312 = tpu.memref_slice %arg1[%dma_start3A_300, %dma_start3A_310, %dma_start3A_311] : memref<32x768x1024xf32, #tpu.memory_space<hbm>> -> memref<1x192x1024xf32, #tpu.memory_space<hbm>>
      %dma_start3A_313 = tpu.memref_squeeze %dma_start3A_312 : memref<1x192x1024xf32, #tpu.memory_space<hbm>> -> memref<192x1024xf32, #tpu.memory_space<hbm>>
      tpu.enqueue_dma source(%dma_start3A_313 : memref<192x1024xf32, #tpu.memory_space<hbm>>) target(%dma_start3A_309 : memref<192x1024xf32, #tpu.memory_space<vmem>>) target_semaphore(%dma_start3A_305 : memref<!tpu.dma_semaphore, #tpu.memory_space<semaphore_mem>>)
      %dma_start3A_314 = arith.constant 2 : i32
      %dma_start3A_315 = arith.constant 2 : i32
      %dma_start3A_316 = arith.constant 2 : i32
      %dma_start3A_317 = arith.constant 3 : i32
      %dma_start3A_318 = tpu.memref_slice %arg10[%dma_start3A_316, %dma_start3A_317] : memref<4x4x!tpu.dma_semaphore, #tpu.memory_space<semaphore_mem>> -> memref<1x1x!tpu.dma_semaphore, #tpu.memory_space<semaphore_mem>>
      %dma_start3A_319 = tpu.memref_squeeze %dma_start3A_318 : memref<1x1x!tpu.dma_semaphore, #tpu.memory_space<semaphore_mem>> -> memref<!tpu.dma_semaphore, #tpu.memory_space<semaphore_mem>>
      %dma_start3A_320 = arith.constant 576 : i32
      %dma_start3A_321 = arith.constant 0 : i32
      %dma_start3A_322 = tpu.memref_slice %arg6[%dma_start3A_315, %dma_start3A_320, %dma_start3A_321] : memref<4x768x1024xf32, #tpu.memory_space<vmem>> -> memref<1x192x1024xf32, #tpu.memory_space<vmem>>
      %dma_start3A_323 = tpu.memref_squeeze %dma_start3A_322 : memref<1x192x1024xf32, #tpu.memory_space<vmem>> -> memref<192x1024xf32, #tpu.memory_space<vmem>>
      %dma_start3A_324 = arith.constant 576 : i32
      %dma_start3A_325 = arith.constant 0 : i32
      %dma_start3A_326 = tpu.memref_slice %arg1[%dma_start3A_314, %dma_start3A_324, %dma_start3A_325] : memref<32x768x1024xf32, #tpu.memory_space<hbm>> -> memref<1x192x1024xf32, #tpu.memory_space<hbm>>
      %dma_start3A_327 = tpu.memref_squeeze %dma_start3A_326 : memref<1x192x1024xf32, #tpu.memory_space<hbm>> -> memref<192x1024xf32, #tpu.memory_space<hbm>>
      tpu.enqueue_dma source(%dma_start3A_327 : memref<192x1024xf32, #tpu.memory_space<hbm>>) target(%dma_start3A_323 : memref<192x1024xf32, #tpu.memory_space<vmem>>) target_semaphore(%dma_start3A_319 : memref<!tpu.dma_semaphore, #tpu.memory_space<semaphore_mem>>)
      %broadcast_in_dim3A_328 = arith.constant 0.000000e+00 : f32
      %broadcast_in_dim3A_329 = vector.broadcast %broadcast_in_dim3A_328 : f32 to vector<768x1xf32>
      %swap3A_330 = arith.constant 0 : index
      %swap3A_331 = arith.constant 0 : index
      %swap3A_332 = vector.load %arg8[%swap3A_330, %swap3A_331] : memref<768x1xf32, #tpu.memory_space<vmem>>, vector<768x1xf32>
      tpu.vector_store %arg8[%swap3A_330, %swap3A_331], %broadcast_in_dim3A_329 {strides = array<i32>} : memref<768x1xf32, #tpu.memory_space<vmem>>, vector<768x1xf32>,
      %broadcast_in_dim3A_333 = arith.constant 0.000000e+00 : f32
      %broadcast_in_dim3A_334 = vector.broadcast %broadcast_in_dim3A_333 : f32 to vector<768x1xf32>
      %swap3A_335 = arith.constant 0 : index
      %swap3A_336 = arith.constant 0 : index
      %swap3A_337 = vector.load %arg9[%swap3A_335, %swap3A_336] : memref<768x1xf32, #tpu.memory_space<vmem>>, vector<768x1xf32>
      tpu.vector_store %arg9[%swap3A_335, %swap3A_336], %broadcast_in_dim3A_334 {strides = array<i32>} : memref<768x1xf32, #tpu.memory_space<vmem>>, vector<768x1xf32>,
    } else {
    }
    %add3A = arith.constant 4 : i32
    %add3A_3 = arith.addi %arg0, %add3A : i32
    %sub3A = arith.constant 1 : i32
    %sub3A_4 = arith.subi %add3A_3, %sub3A : i32
    %lt3A = arith.constant 32 : i32
    %lt3A_5 = arith.cmpi slt, %sub3A_4, %lt3A : i32
    %convert_element_type3A_6 = arith.extui %lt3A_5 : i1 to i32
    %cond3A_7 = arith.constant 0 : i32
    %cond3A_8 = arith.cmpi ne, %convert_element_type3A_6, %cond3A_7 : i32
    scf.if %cond3A_8 {
      %add3A_160 = arith.constant 4 : i32
      %add3A_161 = arith.addi %arg0, %add3A_160 : i32
      %sub3A_162 = arith.constant 1 : i32
      %sub3A_163 = arith.subi %add3A_161, %sub3A_162 : i32
      %add3A_164 = arith.constant 4 : i32
      %add3A_165 = arith.addi %arg0, %add3A_164 : i32
      %sub3A_166 = arith.constant 1 : i32
      %sub3A_167 = arith.subi %add3A_165, %sub3A_166 : i32
      %rem3A_168 = arith.constant 4 : i32
      %rem3A_169 = arith.remsi %sub3A_167, %rem3A_168 : i32
      %dma_start3A_170 = arith.constant 0 : i32
      %dma_start3A_171 = tpu.memref_slice %arg10[%rem3A_169, %dma_start3A_170] : memref<4x4x!tpu.dma_semaphore, #tpu.memory_space<semaphore_mem>> -> memref<1x1x!tpu.dma_semaphore, #tpu.memory_space<semaphore_mem>>
      %dma_start3A_172 = tpu.memref_squeeze %dma_start3A_171 : memref<1x1x!tpu.dma_semaphore, #tpu.memory_space<semaphore_mem>> -> memref<!tpu.dma_semaphore, #tpu.memory_space<semaphore_mem>>
      %dma_start3A_173 = arith.constant 0 : i32
      %dma_start3A_174 = arith.constant 0 : i32
      %dma_start3A_175 = tpu.memref_slice %arg6[%rem3A_169, %dma_start3A_173, %dma_start3A_174] : memref<4x768x1024xf32, #tpu.memory_space<vmem>> -> memref<1x192x1024xf32, #tpu.memory_space<vmem>>
      %dma_start3A_176 = tpu.memref_squeeze %dma_start3A_175 : memref<1x192x1024xf32, #tpu.memory_space<vmem>> -> memref<192x1024xf32, #tpu.memory_space<vmem>>
      %dma_start3A_177 = arith.constant 0 : i32
      %dma_start3A_178 = arith.constant 0 : i32
      %dma_start3A_179 = tpu.memref_slice %arg1[%sub3A_163, %dma_start3A_177, %dma_start3A_178] : memref<32x768x1024xf32, #tpu.memory_space<hbm>> -> memref<1x192x1024xf32, #tpu.memory_space<hbm>>
      %dma_start3A_180 = tpu.memref_squeeze %dma_start3A_179 : memref<1x192x1024xf32, #tpu.memory_space<hbm>> -> memref<192x1024xf32, #tpu.memory_space<hbm>>
      tpu.enqueue_dma source(%dma_start3A_180 : memref<192x1024xf32, #tpu.memory_space<hbm>>) target(%dma_start3A_176 : memref<192x1024xf32, #tpu.memory_space<vmem>>) target_semaphore(%dma_start3A_172 : memref<!tpu.dma_semaphore, #tpu.memory_space<semaphore_mem>>)
      %add3A_181 = arith.constant 4 : i32
      %add3A_182 = arith.addi %arg0, %add3A_181 : i32
      %sub3A_183 = arith.constant 1 : i32
      %sub3A_184 = arith.subi %add3A_182, %sub3A_183 : i32
      %add3A_185 = arith.constant 4 : i32
      %add3A_186 = arith.addi %arg0, %add3A_185 : i32
      %sub3A_187 = arith.constant 1 : i32
      %sub3A_188 = arith.subi %add3A_186, %sub3A_187 : i32
      %rem3A_189 = arith.constant 4 : i32
      %rem3A_190 = arith.remsi %sub3A_188, %rem3A_189 : i32
      %dma_start3A_191 = arith.constant 1 : i32
      %dma_start3A_192 = tpu.memref_slice %arg10[%rem3A_190, %dma_start3A_191] : memref<4x4x!tpu.dma_semaphore, #tpu.memory_space<semaphore_mem>> -> memref<1x1x!tpu.dma_semaphore, #tpu.memory_space<semaphore_mem>>
      %dma_start3A_193 = tpu.memref_squeeze %dma_start3A_192 : memref<1x1x!tpu.dma_semaphore, #tpu.memory_space<semaphore_mem>> -> memref<!tpu.dma_semaphore, #tpu.memory_space<semaphore_mem>>
      %dma_start3A_194 = arith.constant 192 : i32
      %dma_start3A_195 = arith.constant 0 : i32
      %dma_start3A_196 = tpu.memref_slice %arg6[%rem3A_190, %dma_start3A_194, %dma_start3A_195] : memref<4x768x1024xf32, #tpu.memory_space<vmem>> -> memref<1x192x1024xf32, #tpu.memory_space<vmem>>
      %dma_start3A_197 = tpu.memref_squeeze %dma_start3A_196 : memref<1x192x1024xf32, #tpu.memory_space<vmem>> -> memref<192x1024xf32, #tpu.memory_space<vmem>>
      %dma_start3A_198 = arith.constant 192 : i32
      %dma_start3A_199 = arith.constant 0 : i32
      %dma_start3A_200 = tpu.memref_slice %arg1[%sub3A_184, %dma_start3A_198, %dma_start3A_199] : memref<32x768x1024xf32, #tpu.memory_space<hbm>> -> memref<1x192x1024xf32, #tpu.memory_space<hbm>>
      %dma_start3A_201 = tpu.memref_squeeze %dma_start3A_200 : memref<1x192x1024xf32, #tpu.memory_space<hbm>> -> memref<192x1024xf32, #tpu.memory_space<hbm>>
      tpu.enqueue_dma source(%dma_start3A_201 : memref<192x1024xf32, #tpu.memory_space<hbm>>) target(%dma_start3A_197 : memref<192x1024xf32, #tpu.memory_space<vmem>>) target_semaphore(%dma_start3A_193 : memref<!tpu.dma_semaphore, #tpu.memory_space<semaphore_mem>>)
      %add3A_202 = arith.constant 4 : i32
      %add3A_203 = arith.addi %arg0, %add3A_202 : i32
      %sub3A_204 = arith.constant 1 : i32
      %sub3A_205 = arith.subi %add3A_203, %sub3A_204 : i32
      %add3A_206 = arith.constant 4 : i32
      %add3A_207 = arith.addi %arg0, %add3A_206 : i32
      %sub3A_208 = arith.constant 1 : i32
      %sub3A_209 = arith.subi %add3A_207, %sub3A_208 : i32
      %rem3A_210 = arith.constant 4 : i32
      %rem3A_211 = arith.remsi %sub3A_209, %rem3A_210 : i32
      %dma_start3A_212 = arith.constant 2 : i32
      %dma_start3A_213 = tpu.memref_slice %arg10[%rem3A_211, %dma_start3A_212] : memref<4x4x!tpu.dma_semaphore, #tpu.memory_space<semaphore_mem>> -> memref<1x1x!tpu.dma_semaphore, #tpu.memory_space<semaphore_mem>>
      %dma_start3A_214 = tpu.memref_squeeze %dma_start3A_213 : memref<1x1x!tpu.dma_semaphore, #tpu.memory_space<semaphore_mem>> -> memref<!tpu.dma_semaphore, #tpu.memory_space<semaphore_mem>>
      %dma_start3A_215 = arith.constant 384 : i32
      %dma_start3A_216 = arith.constant 0 : i32
      %dma_start3A_217 = tpu.memref_slice %arg6[%rem3A_211, %dma_start3A_215, %dma_start3A_216] : memref<4x768x1024xf32, #tpu.memory_space<vmem>> -> memref<1x192x1024xf32, #tpu.memory_space<vmem>>
      %dma_start3A_218 = tpu.memref_squeeze %dma_start3A_217 : memref<1x192x1024xf32, #tpu.memory_space<vmem>> -> memref<192x1024xf32, #tpu.memory_space<vmem>>
      %dma_start3A_219 = arith.constant 384 : i32
      %dma_start3A_220 = arith.constant 0 : i32
      %dma_start3A_221 = tpu.memref_slice %arg1[%sub3A_205, %dma_start3A_219, %dma_start3A_220] : memref<32x768x1024xf32, #tpu.memory_space<hbm>> -> memref<1x192x1024xf32, #tpu.memory_space<hbm>>
      %dma_start3A_222 = tpu.memref_squeeze %dma_start3A_221 : memref<1x192x1024xf32, #tpu.memory_space<hbm>> -> memref<192x1024xf32, #tpu.memory_space<hbm>>
      tpu.enqueue_dma source(%dma_start3A_222 : memref<192x1024xf32, #tpu.memory_space<hbm>>) target(%dma_start3A_218 : memref<192x1024xf32, #tpu.memory_space<vmem>>) target_semaphore(%dma_start3A_214 : memref<!tpu.dma_semaphore, #tpu.memory_space<semaphore_mem>>)
      %add3A_223 = arith.constant 4 : i32
      %add3A_224 = arith.addi %arg0, %add3A_223 : i32
      %sub3A_225 = arith.constant 1 : i32
      %sub3A_226 = arith.subi %add3A_224, %sub3A_225 : i32
      %add3A_227 = arith.constant 4 : i32
      %add3A_228 = arith.addi %arg0, %add3A_227 : i32
      %sub3A_229 = arith.constant 1 : i32
      %sub3A_230 = arith.subi %add3A_228, %sub3A_229 : i32
      %rem3A_231 = arith.constant 4 : i32
      %rem3A_232 = arith.remsi %sub3A_230, %rem3A_231 : i32
      %dma_start3A_233 = arith.constant 3 : i32
      %dma_start3A_234 = tpu.memref_slice %arg10[%rem3A_232, %dma_start3A_233] : memref<4x4x!tpu.dma_semaphore, #tpu.memory_space<semaphore_mem>> -> memref<1x1x!tpu.dma_semaphore, #tpu.memory_space<semaphore_mem>>
      %dma_start3A_235 = tpu.memref_squeeze %dma_start3A_234 : memref<1x1x!tpu.dma_semaphore, #tpu.memory_space<semaphore_mem>> -> memref<!tpu.dma_semaphore, #tpu.memory_space<semaphore_mem>>
      %dma_start3A_236 = arith.constant 576 : i32
      %dma_start3A_237 = arith.constant 0 : i32
      %dma_start3A_238 = tpu.memref_slice %arg6[%rem3A_232, %dma_start3A_236, %dma_start3A_237] : memref<4x768x1024xf32, #tpu.memory_space<vmem>> -> memref<1x192x1024xf32, #tpu.memory_space<vmem>>
      %dma_start3A_239 = tpu.memref_squeeze %dma_start3A_238 : memref<1x192x1024xf32, #tpu.memory_space<vmem>> -> memref<192x1024xf32, #tpu.memory_space<vmem>>
      %dma_start3A_240 = arith.constant 576 : i32
      %dma_start3A_241 = arith.constant 0 : i32
      %dma_start3A_242 = tpu.memref_slice %arg1[%sub3A_226, %dma_start3A_240, %dma_start3A_241] : memref<32x768x1024xf32, #tpu.memory_space<hbm>> -> memref<1x192x1024xf32, #tpu.memory_space<hbm>>
      %dma_start3A_243 = tpu.memref_squeeze %dma_start3A_242 : memref<1x192x1024xf32, #tpu.memory_space<hbm>> -> memref<192x1024xf32, #tpu.memory_space<hbm>>
      tpu.enqueue_dma source(%dma_start3A_243 : memref<192x1024xf32, #tpu.memory_space<hbm>>) target(%dma_start3A_239 : memref<192x1024xf32, #tpu.memory_space<vmem>>) target_semaphore(%dma_start3A_235 : memref<!tpu.dma_semaphore, #tpu.memory_space<semaphore_mem>>)
    } else {
    }
    %dma_wait3A = arith.constant 0 : i32
    %dma_wait3A_9 = tpu.memref_slice %arg10[%rem3A_0, %dma_wait3A] : memref<4x4x!tpu.dma_semaphore, #tpu.memory_space<semaphore_mem>> -> memref<1x1x!tpu.dma_semaphore, #tpu.memory_space<semaphore_mem>>
    %dma_wait3A_10 = tpu.memref_squeeze %dma_wait3A_9 : memref<1x1x!tpu.dma_semaphore, #tpu.memory_space<semaphore_mem>> -> memref<!tpu.dma_semaphore, #tpu.memory_space<semaphore_mem>>
    %dma_wait3A_11 = arith.constant 0 : i32
    %dma_wait3A_12 = arith.constant 0 : i32
    %dma_wait3A_13 = tpu.memref_slice %arg6[%rem3A_0, %dma_wait3A_11, %dma_wait3A_12] : memref<4x768x1024xf32, #tpu.memory_space<vmem>> -> memref<1x192x1024xf32, #tpu.memory_space<vmem>>
    %dma_wait3A_14 = tpu.memref_squeeze %dma_wait3A_13 : memref<1x192x1024xf32, #tpu.memory_space<vmem>> -> memref<192x1024xf32, #tpu.memory_space<vmem>>
    %dma_wait3A_15 = arith.constant 0 : i32
    %dma_wait3A_16 = arith.constant 0 : i32
    %dma_wait3A_17 = tpu.memref_slice %arg1[%arg0, %dma_wait3A_15, %dma_wait3A_16] : memref<32x768x1024xf32, #tpu.memory_space<hbm>> -> memref<1x192x1024xf32, #tpu.memory_space<hbm>>
    %dma_wait3A_18 = tpu.memref_squeeze %dma_wait3A_17 : memref<1x192x1024xf32, #tpu.memory_space<hbm>> -> memref<192x1024xf32, #tpu.memory_space<hbm>>
    tpu.wait_dma2 semaphore(%dma_wait3A_10 : memref<!tpu.dma_semaphore, #tpu.memory_space<semaphore_mem>>) src(%dma_wait3A_18 : memref<192x1024xf32, #tpu.memory_space<hbm>>) dst(%dma_wait3A_14 : memref<192x1024xf32, #tpu.memory_space<vmem>>)
    %dma_wait3A_19 = arith.constant 1 : i32
    %dma_wait3A_20 = tpu.memref_slice %arg10[%rem3A_0, %dma_wait3A_19] : memref<4x4x!tpu.dma_semaphore, #tpu.memory_space<semaphore_mem>> -> memref<1x1x!tpu.dma_semaphore, #tpu.memory_space<semaphore_mem>>
    %dma_wait3A_21 = tpu.memref_squeeze %dma_wait3A_20 : memref<1x1x!tpu.dma_semaphore, #tpu.memory_space<semaphore_mem>> -> memref<!tpu.dma_semaphore, #tpu.memory_space<semaphore_mem>>
    %dma_wait3A_22 = arith.constant 192 : i32
    %dma_wait3A_23 = arith.constant 0 : i32
    %dma_wait3A_24 = tpu.memref_slice %arg6[%rem3A_0, %dma_wait3A_22, %dma_wait3A_23] : memref<4x768x1024xf32, #tpu.memory_space<vmem>> -> memref<1x192x1024xf32, #tpu.memory_space<vmem>>
    %dma_wait3A_25 = tpu.memref_squeeze %dma_wait3A_24 : memref<1x192x1024xf32, #tpu.memory_space<vmem>> -> memref<192x1024xf32, #tpu.memory_space<vmem>>
    %dma_wait3A_26 = arith.constant 192 : i32
    %dma_wait3A_27 = arith.constant 0 : i32
    %dma_wait3A_28 = tpu.memref_slice %arg1[%arg0, %dma_wait3A_26, %dma_wait3A_27] : memref<32x768x1024xf32, #tpu.memory_space<hbm>> -> memref<1x192x1024xf32, #tpu.memory_space<hbm>>
    %dma_wait3A_29 = tpu.memref_squeeze %dma_wait3A_28 : memref<1x192x1024xf32, #tpu.memory_space<hbm>> -> memref<192x1024xf32, #tpu.memory_space<hbm>>
    tpu.wait_dma2 semaphore(%dma_wait3A_21 : memref<!tpu.dma_semaphore, #tpu.memory_space<semaphore_mem>>) src(%dma_wait3A_29 : memref<192x1024xf32, #tpu.memory_space<hbm>>) dst(%dma_wait3A_25 : memref<192x1024xf32, #tpu.memory_space<vmem>>)
    %dma_wait3A_30 = arith.constant 2 : i32
    %dma_wait3A_31 = tpu.memref_slice %arg10[%rem3A_0, %dma_wait3A_30] : memref<4x4x!tpu.dma_semaphore, #tpu.memory_space<semaphore_mem>> -> memref<1x1x!tpu.dma_semaphore, #tpu.memory_space<semaphore_mem>>
    %dma_wait3A_32 = tpu.memref_squeeze %dma_wait3A_31 : memref<1x1x!tpu.dma_semaphore, #tpu.memory_space<semaphore_mem>> -> memref<!tpu.dma_semaphore, #tpu.memory_space<semaphore_mem>>
    %dma_wait3A_33 = arith.constant 384 : i32
    %dma_wait3A_34 = arith.constant 0 : i32
    %dma_wait3A_35 = tpu.memref_slice %arg6[%rem3A_0, %dma_wait3A_33, %dma_wait3A_34] : memref<4x768x1024xf32, #tpu.memory_space<vmem>> -> memref<1x192x1024xf32, #tpu.memory_space<vmem>>
    %dma_wait3A_36 = tpu.memref_squeeze %dma_wait3A_35 : memref<1x192x1024xf32, #tpu.memory_space<vmem>> -> memref<192x1024xf32, #tpu.memory_space<vmem>>
    %dma_wait3A_37 = arith.constant 384 : i32
    %dma_wait3A_38 = arith.constant 0 : i32
    %dma_wait3A_39 = tpu.memref_slice %arg1[%arg0, %dma_wait3A_37, %dma_wait3A_38] : memref<32x768x1024xf32, #tpu.memory_space<hbm>> -> memref<1x192x1024xf32, #tpu.memory_space<hbm>>
    %dma_wait3A_40 = tpu.memref_squeeze %dma_wait3A_39 : memref<1x192x1024xf32, #tpu.memory_space<hbm>> -> memref<192x1024xf32, #tpu.memory_space<hbm>>
    tpu.wait_dma2 semaphore(%dma_wait3A_32 : memref<!tpu.dma_semaphore, #tpu.memory_space<semaphore_mem>>) src(%dma_wait3A_40 : memref<192x1024xf32, #tpu.memory_space<hbm>>) dst(%dma_wait3A_36 : memref<192x1024xf32, #tpu.memory_space<vmem>>)
    %dma_wait3A_41 = arith.constant 3 : i32
    %dma_wait3A_42 = tpu.memref_slice %arg10[%rem3A_0, %dma_wait3A_41] : memref<4x4x!tpu.dma_semaphore, #tpu.memory_space<semaphore_mem>> -> memref<1x1x!tpu.dma_semaphore, #tpu.memory_space<semaphore_mem>>
    %dma_wait3A_43 = tpu.memref_squeeze %dma_wait3A_42 : memref<1x1x!tpu.dma_semaphore, #tpu.memory_space<semaphore_mem>> -> memref<!tpu.dma_semaphore, #tpu.memory_space<semaphore_mem>>
    %dma_wait3A_44 = arith.constant 576 : i32
    %dma_wait3A_45 = arith.constant 0 : i32
    %dma_wait3A_46 = tpu.memref_slice %arg6[%rem3A_0, %dma_wait3A_44, %dma_wait3A_45] : memref<4x768x1024xf32, #tpu.memory_space<vmem>> -> memref<1x192x1024xf32, #tpu.memory_space<vmem>>
    %dma_wait3A_47 = tpu.memref_squeeze %dma_wait3A_46 : memref<1x192x1024xf32, #tpu.memory_space<vmem>> -> memref<192x1024xf32, #tpu.memory_space<vmem>>
    %dma_wait3A_48 = arith.constant 576 : i32
    %dma_wait3A_49 = arith.constant 0 : i32
    %dma_wait3A_50 = tpu.memref_slice %arg1[%arg0, %dma_wait3A_48, %dma_wait3A_49] : memref<32x768x1024xf32, #tpu.memory_space<hbm>> -> memref<1x192x1024xf32, #tpu.memory_space<hbm>>
    %dma_wait3A_51 = tpu.memref_squeeze %dma_wait3A_50 : memref<1x192x1024xf32, #tpu.memory_space<hbm>> -> memref<192x1024xf32, #tpu.memory_space<hbm>>
    tpu.wait_dma2 semaphore(%dma_wait3A_43 : memref<!tpu.dma_semaphore, #tpu.memory_space<semaphore_mem>>) src(%dma_wait3A_51 : memref<192x1024xf32, #tpu.memory_space<hbm>>) dst(%dma_wait3A_47 : memref<192x1024xf32, #tpu.memory_space<vmem>>)
    %ge3A = arith.constant 4 : i32
    %ge3A_52 = arith.cmpi sge, %arg0, %ge3A : i32
    %convert_element_type3A_53 = arith.extui %ge3A_52 : i1 to i32
    %cond3A_54 = arith.constant 0 : i32
    %cond3A_55 = arith.cmpi ne, %convert_element_type3A_53, %cond3A_54 : i32
    scf.if %cond3A_55 {
      %sub3A_160 = arith.constant 4 : i32
      %sub3A_161 = arith.subi %arg0, %sub3A_160 : i32
      %dma_wait3A_162 = arith.constant 0 : i32
      %dma_wait3A_163 = tpu.memref_slice %arg11[%rem3A_0, %dma_wait3A_162] : memref<4x4x!tpu.dma_semaphore, #tpu.memory_space<semaphore_mem>> -> memref<1x1x!tpu.dma_semaphore, #tpu.memory_space<semaphore_mem>>
      %dma_wait3A_164 = tpu.memref_squeeze %dma_wait3A_163 : memref<1x1x!tpu.dma_semaphore, #tpu.memory_space<semaphore_mem>> -> memref<!tpu.dma_semaphore, #tpu.memory_space<semaphore_mem>>
      %dma_wait3A_165 = arith.constant 0 : i32
      %dma_wait3A_166 = arith.constant 0 : i32
      %dma_wait3A_167 = tpu.memref_slice %arg2[%sub3A_161, %dma_wait3A_165, %dma_wait3A_166] : memref<32x768x1024xi8, #tpu.memory_space<hbm>> -> memref<1x192x1024xi8, #tpu.memory_space<hbm>>
      %dma_wait3A_168 = tpu.memref_squeeze %dma_wait3A_167 : memref<1x192x1024xi8, #tpu.memory_space<hbm>> -> memref<192x1024xi8, #tpu.memory_space<hbm>>
      %dma_wait3A_169 = arith.constant 0 : i32
      %dma_wait3A_170 = arith.constant 0 : i32
      %dma_wait3A_171 = tpu.memref_slice %arg7[%rem3A_0, %dma_wait3A_169, %dma_wait3A_170] : memref<4x768x1024xi8, #tpu.memory_space<vmem>> -> memref<1x192x1024xi8, #tpu.memory_space<vmem>>
      %dma_wait3A_172 = tpu.memref_squeeze %dma_wait3A_171 : memref<1x192x1024xi8, #tpu.memory_space<vmem>> -> memref<192x1024xi8, #tpu.memory_space<vmem>>
      tpu.wait_dma2 semaphore(%dma_wait3A_164 : memref<!tpu.dma_semaphore, #tpu.memory_space<semaphore_mem>>) src(%dma_wait3A_172 : memref<192x1024xi8, #tpu.memory_space<vmem>>) dst(%dma_wait3A_168 : memref<192x1024xi8, #tpu.memory_space<hbm>>)
      %sub3A_173 = arith.constant 4 : i32
      %sub3A_174 = arith.subi %arg0, %sub3A_173 : i32
      %dma_wait3A_175 = arith.constant 1 : i32
      %dma_wait3A_176 = tpu.memref_slice %arg11[%rem3A_0, %dma_wait3A_175] : memref<4x4x!tpu.dma_semaphore, #tpu.memory_space<semaphore_mem>> -> memref<1x1x!tpu.dma_semaphore, #tpu.memory_space<semaphore_mem>>
      %dma_wait3A_177 = tpu.memref_squeeze %dma_wait3A_176 : memref<1x1x!tpu.dma_semaphore, #tpu.memory_space<semaphore_mem>> -> memref<!tpu.dma_semaphore, #tpu.memory_space<semaphore_mem>>
      %dma_wait3A_178 = arith.constant 192 : i32
      %dma_wait3A_179 = arith.constant 0 : i32
      %dma_wait3A_180 = tpu.memref_slice %arg2[%sub3A_174, %dma_wait3A_178, %dma_wait3A_179] : memref<32x768x1024xi8, #tpu.memory_space<hbm>> -> memref<1x192x1024xi8, #tpu.memory_space<hbm>>
      %dma_wait3A_181 = tpu.memref_squeeze %dma_wait3A_180 : memref<1x192x1024xi8, #tpu.memory_space<hbm>> -> memref<192x1024xi8, #tpu.memory_space<hbm>>
      %dma_wait3A_182 = arith.constant 192 : i32
      %dma_wait3A_183 = arith.constant 0 : i32
      %dma_wait3A_184 = tpu.memref_slice %arg7[%rem3A_0, %dma_wait3A_182, %dma_wait3A_183] : memref<4x768x1024xi8, #tpu.memory_space<vmem>> -> memref<1x192x1024xi8, #tpu.memory_space<vmem>>
      %dma_wait3A_185 = tpu.memref_squeeze %dma_wait3A_184 : memref<1x192x1024xi8, #tpu.memory_space<vmem>> -> memref<192x1024xi8, #tpu.memory_space<vmem>>
      tpu.wait_dma2 semaphore(%dma_wait3A_177 : memref<!tpu.dma_semaphore, #tpu.memory_space<semaphore_mem>>) src(%dma_wait3A_185 : memref<192x1024xi8, #tpu.memory_space<vmem>>) dst(%dma_wait3A_181 : memref<192x1024xi8, #tpu.memory_space<hbm>>)
      %sub3A_186 = arith.constant 4 : i32
      %sub3A_187 = arith.subi %arg0, %sub3A_186 : i32
      %dma_wait3A_188 = arith.constant 2 : i32
      %dma_wait3A_189 = tpu.memref_slice %arg11[%rem3A_0, %dma_wait3A_188] : memref<4x4x!tpu.dma_semaphore, #tpu.memory_space<semaphore_mem>> -> memref<1x1x!tpu.dma_semaphore, #tpu.memory_space<semaphore_mem>>
      %dma_wait3A_190 = tpu.memref_squeeze %dma_wait3A_189 : memref<1x1x!tpu.dma_semaphore, #tpu.memory_space<semaphore_mem>> -> memref<!tpu.dma_semaphore, #tpu.memory_space<semaphore_mem>>
      %dma_wait3A_191 = arith.constant 384 : i32
      %dma_wait3A_192 = arith.constant 0 : i32
      %dma_wait3A_193 = tpu.memref_slice %arg2[%sub3A_187, %dma_wait3A_191, %dma_wait3A_192] : memref<32x768x1024xi8, #tpu.memory_space<hbm>> -> memref<1x192x1024xi8, #tpu.memory_space<hbm>>
      %dma_wait3A_194 = tpu.memref_squeeze %dma_wait3A_193 : memref<1x192x1024xi8, #tpu.memory_space<hbm>> -> memref<192x1024xi8, #tpu.memory_space<hbm>>
      %dma_wait3A_195 = arith.constant 384 : i32
      %dma_wait3A_196 = arith.constant 0 : i32
      %dma_wait3A_197 = tpu.memref_slice %arg7[%rem3A_0, %dma_wait3A_195, %dma_wait3A_196] : memref<4x768x1024xi8, #tpu.memory_space<vmem>> -> memref<1x192x1024xi8, #tpu.memory_space<vmem>>
      %dma_wait3A_198 = tpu.memref_squeeze %dma_wait3A_197 : memref<1x192x1024xi8, #tpu.memory_space<vmem>> -> memref<192x1024xi8, #tpu.memory_space<vmem>>
      tpu.wait_dma2 semaphore(%dma_wait3A_190 : memref<!tpu.dma_semaphore, #tpu.memory_space<semaphore_mem>>) src(%dma_wait3A_198 : memref<192x1024xi8, #tpu.memory_space<vmem>>) dst(%dma_wait3A_194 : memref<192x1024xi8, #tpu.memory_space<hbm>>)
      %sub3A_199 = arith.constant 4 : i32
      %sub3A_200 = arith.subi %arg0, %sub3A_199 : i32
      %dma_wait3A_201 = arith.constant 3 : i32
      %dma_wait3A_202 = tpu.memref_slice %arg11[%rem3A_0, %dma_wait3A_201] : memref<4x4x!tpu.dma_semaphore, #tpu.memory_space<semaphore_mem>> -> memref<1x1x!tpu.dma_semaphore, #tpu.memory_space<semaphore_mem>>
      %dma_wait3A_203 = tpu.memref_squeeze %dma_wait3A_202 : memref<1x1x!tpu.dma_semaphore, #tpu.memory_space<semaphore_mem>> -> memref<!tpu.dma_semaphore, #tpu.memory_space<semaphore_mem>>
      %dma_wait3A_204 = arith.constant 576 : i32
      %dma_wait3A_205 = arith.constant 0 : i32
      %dma_wait3A_206 = tpu.memref_slice %arg2[%sub3A_200, %dma_wait3A_204, %dma_wait3A_205] : memref<32x768x1024xi8, #tpu.memory_space<hbm>> -> memref<1x192x1024xi8, #tpu.memory_space<hbm>>
      %dma_wait3A_207 = tpu.memref_squeeze %dma_wait3A_206 : memref<1x192x1024xi8, #tpu.memory_space<hbm>> -> memref<192x1024xi8, #tpu.memory_space<hbm>>
      %dma_wait3A_208 = arith.constant 576 : i32
      %dma_wait3A_209 = arith.constant 0 : i32
      %dma_wait3A_210 = tpu.memref_slice %arg7[%rem3A_0, %dma_wait3A_208, %dma_wait3A_209] : memref<4x768x1024xi8, #tpu.memory_space<vmem>> -> memref<1x192x1024xi8, #tpu.memory_space<vmem>>
      %dma_wait3A_211 = tpu.memref_squeeze %dma_wait3A_210 : memref<1x192x1024xi8, #tpu.memory_space<vmem>> -> memref<192x1024xi8, #tpu.memory_space<vmem>>
      tpu.wait_dma2 semaphore(%dma_wait3A_203 : memref<!tpu.dma_semaphore, #tpu.memory_space<semaphore_mem>>) src(%dma_wait3A_211 : memref<192x1024xi8, #tpu.memory_space<vmem>>) dst(%dma_wait3A_207 : memref<192x1024xi8, #tpu.memory_space<hbm>>)
    } else {
    }
    %get3A = arith.index_cast %rem3A_0 : i32 to index
    %get3A_56 = arith.constant 0 : index
    %get3A_57 = arith.constant 0 : index
    %get3A_58 = vector.load %arg6[%get3A, %get3A_56, %get3A_57] : memref<4x768x1024xf32, #tpu.memory_space<vmem>>, vector<1x768x1024xf32>
    %get3A_59 = vector.shape_cast %get3A_58 : vector<1x768x1024xf32> to vector<768x1024xf32>
    %max3A = arith.constant 0.000000e+00 : f32
    %max3A_60 = vector.broadcast %max3A : f32 to vector<768x1024xf32>
    %max3A_61 = arith.maximumf %get3A_59, %max3A_60 : vector<768x1024xf32>
    %reduce_sum3A = arith.constant dense<0.000000e+00> : vector<1024xf32>
    %reduce_sum3A_62 = vector.multi_reduction <add>, %max3A_61, %reduce_sum3A [0] : vector<768x1024xf32> to vector<1024xf32>
    %broadcast_in_dim3A = vector.shape_cast %reduce_sum3A_62 : vector<1024xf32> to vector<1x1024xf32>
    %add3A_63 = arith.constant 1.000000e-10 : f32
    %add3A_64 = vector.broadcast %add3A_63 : f32 to vector<1x1024xf32>
    %add3A_65 = arith.addf %broadcast_in_dim3A, %add3A_64 : vector<1x1024xf32>
    %div3A = arith.constant 1.000000e+00 : f32
    %div3A_66 = vector.broadcast %div3A : f32 to vector<1x1024xf32>
    %div3A_67 = arith.divf %div3A_66, %add3A_65 : vector<1x1024xf32>
    %reduce_max3A = arith.constant dense<0xFF800000> : vector<1024xf32>
    %reduce_max3A_68 = vector.multi_reduction <maximumf>, %max3A_61, %reduce_max3A [0] : vector<768x1024xf32> to vector<1024xf32>
    %broadcast_in_dim3A_69 = vector.shape_cast %reduce_max3A_68 : vector<1024xf32> to vector<1x1024xf32>
    %iota3A = tpu.iota {dimensions = array<i32: 0>} : vector<768x1024xi32>
    %eq3A_70 = vector.broadcast %broadcast_in_dim3A_69 : vector<1x1024xf32> to vector<768x1024xf32>
    %eq3A_71 = arith.cmpf oeq, %max3A_61, %eq3A_70 : vector<768x1024xf32>
    %jit3A = arith.constant 768 : i32
    %broadcast_in_dim3A_72 = vector.broadcast %jit3A : i32 to vector<768x1024xi32>
    %select_n3A = arith.select %eq3A_71, %iota3A, %broadcast_in_dim3A_72 : vector<768x1024xi1>, vector<768x1024xi32>
    %reduce_min3A = arith.constant dense<2147483647> : vector<1024xi32>
    %reduce_min3A_73 = vector.multi_reduction <minsi>, %select_n3A, %reduce_min3A [0] : vector<768x1024xi32> to vector<1024xi32>
    %broadcast_in_dim3A_74 = vector.shape_cast %reduce_min3A_73 : vector<1024xi32> to vector<1x1024xi32>
    %eq3A_75 = vector.broadcast %broadcast_in_dim3A_74 : vector<1x1024xi32> to vector<768x1024xi32>
    %eq3A_76 = arith.cmpi eq, %iota3A, %eq3A_75 : vector<768x1024xi32>
    %convert_element_type3A_77 = arith.extui %eq3A_76 : vector<768x1024xi1> to vector<768x1024xi8>
    %swap3A = arith.index_cast %rem3A_0 : i32 to index
    %swap3A_78 = arith.constant 0 : index
    %swap3A_79 = arith.constant 0 : index
    %swap3A_80 = vector.load %arg7[%swap3A, %swap3A_78, %swap3A_79] : memref<4x768x1024xi8, #tpu.memory_space<vmem>>, vector<1x768x1024xi8>
    %swap3A_81 = vector.shape_cast %swap3A_80 : vector<1x768x1024xi8> to vector<768x1024xi8>
    %swap3A_82 = vector.shape_cast %convert_element_type3A_77 : vector<768x1024xi8> to vector<1x768x1024xi8>
    tpu.vector_store %arg7[%swap3A, %swap3A_78, %swap3A_79], %swap3A_82 {strides = array<i32>} : memref<4x768x1024xi8, #tpu.memory_space<vmem>>, vector<1x768x1024xi8>,
    %swap3A_83 = arith.constant 0 : index
    %swap3A_84 = arith.constant 0 : index
    %swap3A_85 = arith.constant 0 : index
    %swap3A_86 = vector.load %arg3[%swap3A_83, %swap3A_84, %swap3A_85] : memref<1x1x1024xi32, #tpu.memory_space<vmem>>, vector<1x1x1024xi32>
    %swap3A_87 = vector.shape_cast %swap3A_86 : vector<1x1x1024xi32> to vector<1x1024xi32>
    %swap3A_88 = vector.shape_cast %broadcast_in_dim3A_74 : vector<1x1024xi32> to vector<1x1x1024xi32>
    tpu.vector_store %arg3[%swap3A_83, %swap3A_84, %swap3A_85], %swap3A_88 {strides = array<i32>} : memref<1x1x1024xi32, #tpu.memory_space<vmem>>, vector<1x1x1024xi32>,
    %get3A_89 = arith.constant 0 : index
    %get3A_90 = arith.constant 0 : index
    %get3A_91 = vector.load %arg8[%get3A_89, %get3A_90] : memref<768x1xf32, #tpu.memory_space<vmem>>, vector<768x1xf32>
    %mul3A = vector.broadcast %div3A_67 : vector<1x1024xf32> to vector<768x1024xf32>
    %mul3A_92 = arith.mulf %max3A_61, %mul3A : vector<768x1024xf32>
    %reduce_sum3A_93 = arith.constant dense<0.000000e+00> : vector<768xf32>
    %reduce_sum3A_94 = vector.multi_reduction <add>, %mul3A_92, %reduce_sum3A_93 [1] : vector<768x1024xf32> to vector<768xf32>
    %broadcast_in_dim3A_95 = vector.shape_cast %reduce_sum3A_94 : vector<768xf32> to vector<768x1xf32>
    %add3A_96 = arith.addf %get3A_91, %broadcast_in_dim3A_95 : vector<768x1xf32>
    %swap3A_97 = arith.constant 0 : index
    %swap3A_98 = arith.constant 0 : index
    %swap3A_99 = vector.load %arg8[%swap3A_97, %swap3A_98] : memref<768x1xf32, #tpu.memory_space<vmem>>, vector<768x1xf32>
    tpu.vector_store %arg8[%swap3A_97, %swap3A_98], %add3A_96 {strides = array<i32>} : memref<768x1xf32, #tpu.memory_space<vmem>>, vector<768x1xf32>,
    %get3A_100 = arith.constant 0 : index
    %get3A_101 = arith.constant 0 : index
    %get3A_102 = vector.load %arg9[%get3A_100, %get3A_101] : memref<768x1xf32, #tpu.memory_space<vmem>>, vector<768x1xf32>
    %convert_element_type3A_103 = arith.extui %eq3A_76 : vector<768x1024xi1> to vector<768x1024xi32>
    %convert_element_type3A_104 = arith.sitofp %convert_element_type3A_103 : vector<768x1024xi32> to vector<768x1024xf32>
    %reduce_sum3A_105 = arith.constant dense<0.000000e+00> : vector<768xf32>
    %reduce_sum3A_106 = vector.multi_reduction <add>, %convert_element_type3A_104, %reduce_sum3A_105 [1] : vector<768x1024xf32> to vector<768xf32>
    %broadcast_in_dim3A_107 = vector.shape_cast %reduce_sum3A_106 : vector<768xf32> to vector<768x1xf32>
    %add3A_108 = arith.addf %get3A_102, %broadcast_in_dim3A_107 : vector<768x1xf32>
    %swap3A_109 = arith.constant 0 : index
    %swap3A_110 = arith.constant 0 : index
    %swap3A_111 = vector.load %arg9[%swap3A_109, %swap3A_110] : memref<768x1xf32, #tpu.memory_space<vmem>>, vector<768x1xf32>
    tpu.vector_store %arg9[%swap3A_109, %swap3A_110], %add3A_108 {strides = array<i32>} : memref<768x1xf32, #tpu.memory_space<vmem>>, vector<768x1xf32>,
    %dma_start3A = arith.constant 0 : i32
    %dma_start3A_112 = tpu.memref_slice %arg11[%rem3A_0, %dma_start3A] : memref<4x4x!tpu.dma_semaphore, #tpu.memory_space<semaphore_mem>> -> memref<1x1x!tpu.dma_semaphore, #tpu.memory_space<semaphore_mem>>
    %dma_start3A_113 = tpu.memref_squeeze %dma_start3A_112 : memref<1x1x!tpu.dma_semaphore, #tpu.memory_space<semaphore_mem>> -> memref<!tpu.dma_semaphore, #tpu.memory_space<semaphore_mem>>
    %dma_start3A_114 = arith.constant 0 : i32
    %dma_start3A_115 = arith.constant 0 : i32
    %dma_start3A_116 = tpu.memref_slice %arg2[%arg0, %dma_start3A_114, %dma_start3A_115] : memref<32x768x1024xi8, #tpu.memory_space<hbm>> -> memref<1x192x1024xi8, #tpu.memory_space<hbm>>
    %dma_start3A_117 = tpu.memref_squeeze %dma_start3A_116 : memref<1x192x1024xi8, #tpu.memory_space<hbm>> -> memref<192x1024xi8, #tpu.memory_space<hbm>>
    %dma_start3A_118 = arith.constant 0 : i32
    %dma_start3A_119 = arith.constant 0 : i32
    %dma_start3A_120 = tpu.memref_slice %arg7[%rem3A_0, %dma_start3A_118, %dma_start3A_119] : memref<4x768x1024xi8, #tpu.memory_space<vmem>> -> memref<1x192x1024xi8, #tpu.memory_space<vmem>>
    %dma_start3A_121 = tpu.memref_squeeze %dma_start3A_120 : memref<1x192x1024xi8, #tpu.memory_space<vmem>> -> memref<192x1024xi8, #tpu.memory_space<vmem>>
    tpu.enqueue_dma source(%dma_start3A_121 : memref<192x1024xi8, #tpu.memory_space<vmem>>) target(%dma_start3A_117 : memref<192x1024xi8, #tpu.memory_space<hbm>>) target_semaphore(%dma_start3A_113 : memref<!tpu.dma_semaphore, #tpu.memory_space<semaphore_mem>>)
    %dma_start3A_122 = arith.constant 1 : i32
    %dma_start3A_123 = tpu.memref_slice %arg11[%rem3A_0, %dma_start3A_122] : memref<4x4x!tpu.dma_semaphore, #tpu.memory_space<semaphore_mem>> -> memref<1x1x!tpu.dma_semaphore, #tpu.memory_space<semaphore_mem>>
    %dma_start3A_124 = tpu.memref_squeeze %dma_start3A_123 : memref<1x1x!tpu.dma_semaphore, #tpu.memory_space<semaphore_mem>> -> memref<!tpu.dma_semaphore, #tpu.memory_space<semaphore_mem>>
    %dma_start3A_125 = arith.constant 192 : i32
    %dma_start3A_126 = arith.constant 0 : i32
    %dma_start3A_127 = tpu.memref_slice %arg2[%arg0, %dma_start3A_125, %dma_start3A_126] : memref<32x768x1024xi8, #tpu.memory_space<hbm>> -> memref<1x192x1024xi8, #tpu.memory_space<hbm>>
    %dma_start3A_128 = tpu.memref_squeeze %dma_start3A_127 : memref<1x192x1024xi8, #tpu.memory_space<hbm>> -> memref<192x1024xi8, #tpu.memory_space<hbm>>
    %dma_start3A_129 = arith.constant 192 : i32
    %dma_start3A_130 = arith.constant 0 : i32
    %dma_start3A_131 = tpu.memref_slice %arg7[%rem3A_0, %dma_start3A_129, %dma_start3A_130] : memref<4x768x1024xi8, #tpu.memory_space<vmem>> -> memref<1x192x1024xi8, #tpu.memory_space<vmem>>
    %dma_start3A_132 = tpu.memref_squeeze %dma_start3A_131 : memref<1x192x1024xi8, #tpu.memory_space<vmem>> -> memref<192x1024xi8, #tpu.memory_space<vmem>>
    tpu.enqueue_dma source(%dma_start3A_132 : memref<192x1024xi8, #tpu.memory_space<vmem>>) target(%dma_start3A_128 : memref<192x1024xi8, #tpu.memory_space<hbm>>) target_semaphore(%dma_start3A_124 : memref<!tpu.dma_semaphore, #tpu.memory_space<semaphore_mem>>)
    %dma_start3A_133 = arith.constant 2 : i32
    %dma_start3A_134 = tpu.memref_slice %arg11[%rem3A_0, %dma_start3A_133] : memref<4x4x!tpu.dma_semaphore, #tpu.memory_space<semaphore_mem>> -> memref<1x1x!tpu.dma_semaphore, #tpu.memory_space<semaphore_mem>>
    %dma_start3A_135 = tpu.memref_squeeze %dma_start3A_134 : memref<1x1x!tpu.dma_semaphore, #tpu.memory_space<semaphore_mem>> -> memref<!tpu.dma_semaphore, #tpu.memory_space<semaphore_mem>>
    %dma_start3A_136 = arith.constant 384 : i32
    %dma_start3A_137 = arith.constant 0 : i32
    %dma_start3A_138 = tpu.memref_slice %arg2[%arg0, %dma_start3A_136, %dma_start3A_137] : memref<32x768x1024xi8, #tpu.memory_space<hbm>> -> memref<1x192x1024xi8, #tpu.memory_space<hbm>>
    %dma_start3A_139 = tpu.memref_squeeze %dma_start3A_138 : memref<1x192x1024xi8, #tpu.memory_space<hbm>> -> memref<192x1024xi8, #tpu.memory_space<hbm>>
    %dma_start3A_140 = arith.constant 384 : i32
    %dma_start3A_141 = arith.constant 0 : i32
    %dma_start3A_142 = tpu.memref_slice %arg7[%rem3A_0, %dma_start3A_140, %dma_start3A_141] : memref<4x768x1024xi8, #tpu.memory_space<vmem>> -> memref<1x192x1024xi8, #tpu.memory_space<vmem>>
    %dma_start3A_143 = tpu.memref_squeeze %dma_start3A_142 : memref<1x192x1024xi8, #tpu.memory_space<vmem>> -> memref<192x1024xi8, #tpu.memory_space<vmem>>
    tpu.enqueue_dma source(%dma_start3A_143 : memref<192x1024xi8, #tpu.memory_space<vmem>>) target(%dma_start3A_139 : memref<192x1024xi8, #tpu.memory_space<hbm>>) target_semaphore(%dma_start3A_135 : memref<!tpu.dma_semaphore, #tpu.memory_space<semaphore_mem>>)
    %dma_start3A_144 = arith.constant 3 : i32
    %dma_start3A_145 = tpu.memref_slice %arg11[%rem3A_0, %dma_start3A_144] : memref<4x4x!tpu.dma_semaphore, #tpu.memory_space<semaphore_mem>> -> memref<1x1x!tpu.dma_semaphore, #tpu.memory_space<semaphore_mem>>
    %dma_start3A_146 = tpu.memref_squeeze %dma_start3A_145 : memref<1x1x!tpu.dma_semaphore, #tpu.memory_space<semaphore_mem>> -> memref<!tpu.dma_semaphore, #tpu.memory_space<semaphore_mem>>
    %dma_start3A_147 = arith.constant 576 : i32
    %dma_start3A_148 = arith.constant 0 : i32
    %dma_start3A_149 = tpu.memref_slice %arg2[%arg0, %dma_start3A_147, %dma_start3A_148] : memref<32x768x1024xi8, #tpu.memory_space<hbm>> -> memref<1x192x1024xi8, #tpu.memory_space<hbm>>
    %dma_start3A_150 = tpu.memref_squeeze %dma_start3A_149 : memref<1x192x1024xi8, #tpu.memory_space<hbm>> -> memref<192x1024xi8, #tpu.memory_space<hbm>>
    %dma_start3A_151 = arith.constant 576 : i32
    %dma_start3A_152 = arith.constant 0 : i32
    %dma_start3A_153 = tpu.memref_slice %arg7[%rem3A_0, %dma_start3A_151, %dma_start3A_152] : memref<4x768x1024xi8, #tpu.memory_space<vmem>> -> memref<1x192x1024xi8, #tpu.memory_space<vmem>>
    %dma_start3A_154 = tpu.memref_squeeze %dma_start3A_153 : memref<1x192x1024xi8, #tpu.memory_space<vmem>> -> memref<192x1024xi8, #tpu.memory_space<vmem>>
    tpu.enqueue_dma source(%dma_start3A_154 : memref<192x1024xi8, #tpu.memory_space<vmem>>) target(%dma_start3A_150 : memref<192x1024xi8, #tpu.memory_space<hbm>>) target_semaphore(%dma_start3A_146 : memref<!tpu.dma_semaphore, #tpu.memory_space<semaphore_mem>>)
    %eq3A_155 = arith.constant 31 : i32
    %eq3A_156 = arith.cmpi eq, %arg0, %eq3A_155 : i32
    %convert_element_type3A_157 = arith.extui %eq3A_156 : i1 to i32
    %cond3A_158 = arith.constant 0 : i32
    %cond3A_159 = arith.cmpi ne, %convert_element_type3A_157, %cond3A_158 : i32
    scf.if %cond3A_159 {
      %rem3A_160 = arith.constant 28 : i32
      %rem3A_161 = arith.constant 4 : i32
      %rem3A_162 = arith.remsi %rem3A_160, %rem3A_161 : i32
      %dma_wait3A_163 = arith.constant 28 : i32
      %dma_wait3A_164 = arith.constant 0 : i32
      %dma_wait3A_165 = tpu.memref_slice %arg11[%rem3A_162, %dma_wait3A_164] : memref<4x4x!tpu.dma_semaphore, #tpu.memory_space<semaphore_mem>> -> memref<1x1x!tpu.dma_semaphore, #tpu.memory_space<semaphore_mem>>
      %dma_wait3A_166 = tpu.memref_squeeze %dma_wait3A_165 : memref<1x1x!tpu.dma_semaphore, #tpu.memory_space<semaphore_mem>> -> memref<!tpu.dma_semaphore, #tpu.memory_space<semaphore_mem>>
      %dma_wait3A_167 = arith.constant 0 : i32
      %dma_wait3A_168 = arith.constant 0 : i32
      %dma_wait3A_169 = tpu.memref_slice %arg2[%dma_wait3A_163, %dma_wait3A_167, %dma_wait3A_168] : memref<32x768x1024xi8, #tpu.memory_space<hbm>> -> memref<1x192x1024xi8, #tpu.memory_space<hbm>>
      %dma_wait3A_170 = tpu.memref_squeeze %dma_wait3A_169 : memref<1x192x1024xi8, #tpu.memory_space<hbm>> -> memref<192x1024xi8, #tpu.memory_space<hbm>>
      %dma_wait3A_171 = arith.constant 0 : i32
      %dma_wait3A_172 = arith.constant 0 : i32
      %dma_wait3A_173 = tpu.memref_slice %arg7[%rem3A_162, %dma_wait3A_171, %dma_wait3A_172] : memref<4x768x1024xi8, #tpu.memory_space<vmem>> -> memref<1x192x1024xi8, #tpu.memory_space<vmem>>
      %dma_wait3A_174 = tpu.memref_squeeze %dma_wait3A_173 : memref<1x192x1024xi8, #tpu.memory_space<vmem>> -> memref<192x1024xi8, #tpu.memory_space<vmem>>
      tpu.wait_dma2 semaphore(%dma_wait3A_166 : memref<!tpu.dma_semaphore, #tpu.memory_space<semaphore_mem>>) src(%dma_wait3A_174 : memref<192x1024xi8, #tpu.memory_space<vmem>>) dst(%dma_wait3A_170 : memref<192x1024xi8, #tpu.memory_space<hbm>>)
      %rem3A_175 = arith.constant 28 : i32
      %rem3A_176 = arith.constant 4 : i32
      %rem3A_177 = arith.remsi %rem3A_175, %rem3A_176 : i32
      %dma_wait3A_178 = arith.constant 28 : i32
      %dma_wait3A_179 = arith.constant 1 : i32
      %dma_wait3A_180 = tpu.memref_slice %arg11[%rem3A_177, %dma_wait3A_179] : memref<4x4x!tpu.dma_semaphore, #tpu.memory_space<semaphore_mem>> -> memref<1x1x!tpu.dma_semaphore, #tpu.memory_space<semaphore_mem>>
      %dma_wait3A_181 = tpu.memref_squeeze %dma_wait3A_180 : memref<1x1x!tpu.dma_semaphore, #tpu.memory_space<semaphore_mem>> -> memref<!tpu.dma_semaphore, #tpu.memory_space<semaphore_mem>>
      %dma_wait3A_182 = arith.constant 192 : i32
      %dma_wait3A_183 = arith.constant 0 : i32
      %dma_wait3A_184 = tpu.memref_slice %arg2[%dma_wait3A_178, %dma_wait3A_182, %dma_wait3A_183] : memref<32x768x1024xi8, #tpu.memory_space<hbm>> -> memref<1x192x1024xi8, #tpu.memory_space<hbm>>
      %dma_wait3A_185 = tpu.memref_squeeze %dma_wait3A_184 : memref<1x192x1024xi8, #tpu.memory_space<hbm>> -> memref<192x1024xi8, #tpu.memory_space<hbm>>
      %dma_wait3A_186 = arith.constant 192 : i32
      %dma_wait3A_187 = arith.constant 0 : i32
      %dma_wait3A_188 = tpu.memref_slice %arg7[%rem3A_177, %dma_wait3A_186, %dma_wait3A_187] : memref<4x768x1024xi8, #tpu.memory_space<vmem>> -> memref<1x192x1024xi8, #tpu.memory_space<vmem>>
      %dma_wait3A_189 = tpu.memref_squeeze %dma_wait3A_188 : memref<1x192x1024xi8, #tpu.memory_space<vmem>> -> memref<192x1024xi8, #tpu.memory_space<vmem>>
      tpu.wait_dma2 semaphore(%dma_wait3A_181 : memref<!tpu.dma_semaphore, #tpu.memory_space<semaphore_mem>>) src(%dma_wait3A_189 : memref<192x1024xi8, #tpu.memory_space<vmem>>) dst(%dma_wait3A_185 : memref<192x1024xi8, #tpu.memory_space<hbm>>)
      %rem3A_190 = arith.constant 28 : i32
      %rem3A_191 = arith.constant 4 : i32
      %rem3A_192 = arith.remsi %rem3A_190, %rem3A_191 : i32
      %dma_wait3A_193 = arith.constant 28 : i32
      %dma_wait3A_194 = arith.constant 2 : i32
      %dma_wait3A_195 = tpu.memref_slice %arg11[%rem3A_192, %dma_wait3A_194] : memref<4x4x!tpu.dma_semaphore, #tpu.memory_space<semaphore_mem>> -> memref<1x1x!tpu.dma_semaphore, #tpu.memory_space<semaphore_mem>>
      %dma_wait3A_196 = tpu.memref_squeeze %dma_wait3A_195 : memref<1x1x!tpu.dma_semaphore, #tpu.memory_space<semaphore_mem>> -> memref<!tpu.dma_semaphore, #tpu.memory_space<semaphore_mem>>
      %dma_wait3A_197 = arith.constant 384 : i32
      %dma_wait3A_198 = arith.constant 0 : i32
      %dma_wait3A_199 = tpu.memref_slice %arg2[%dma_wait3A_193, %dma_wait3A_197, %dma_wait3A_198] : memref<32x768x1024xi8, #tpu.memory_space<hbm>> -> memref<1x192x1024xi8, #tpu.memory_space<hbm>>
      %dma_wait3A_200 = tpu.memref_squeeze %dma_wait3A_199 : memref<1x192x1024xi8, #tpu.memory_space<hbm>> -> memref<192x1024xi8, #tpu.memory_space<hbm>>
      %dma_wait3A_201 = arith.constant 384 : i32
      %dma_wait3A_202 = arith.constant 0 : i32
      %dma_wait3A_203 = tpu.memref_slice %arg7[%rem3A_192, %dma_wait3A_201, %dma_wait3A_202] : memref<4x768x1024xi8, #tpu.memory_space<vmem>> -> memref<1x192x1024xi8, #tpu.memory_space<vmem>>
      %dma_wait3A_204 = tpu.memref_squeeze %dma_wait3A_203 : memref<1x192x1024xi8, #tpu.memory_space<vmem>> -> memref<192x1024xi8, #tpu.memory_space<vmem>>
      tpu.wait_dma2 semaphore(%dma_wait3A_196 : memref<!tpu.dma_semaphore, #tpu.memory_space<semaphore_mem>>) src(%dma_wait3A_204 : memref<192x1024xi8, #tpu.memory_space<vmem>>) dst(%dma_wait3A_200 : memref<192x1024xi8, #tpu.memory_space<hbm>>)
      %rem3A_205 = arith.constant 28 : i32
      %rem3A_206 = arith.constant 4 : i32
      %rem3A_207 = arith.remsi %rem3A_205, %rem3A_206 : i32
      %dma_wait3A_208 = arith.constant 28 : i32
      %dma_wait3A_209 = arith.constant 3 : i32
      %dma_wait3A_210 = tpu.memref_slice %arg11[%rem3A_207, %dma_wait3A_209] : memref<4x4x!tpu.dma_semaphore, #tpu.memory_space<semaphore_mem>> -> memref<1x1x!tpu.dma_semaphore, #tpu.memory_space<semaphore_mem>>
      %dma_wait3A_211 = tpu.memref_squeeze %dma_wait3A_210 : memref<1x1x!tpu.dma_semaphore, #tpu.memory_space<semaphore_mem>> -> memref<!tpu.dma_semaphore, #tpu.memory_space<semaphore_mem>>
      %dma_wait3A_212 = arith.constant 576 : i32
      %dma_wait3A_213 = arith.constant 0 : i32
      %dma_wait3A_214 = tpu.memref_slice %arg2[%dma_wait3A_208, %dma_wait3A_212, %dma_wait3A_213] : memref<32x768x1024xi8, #tpu.memory_space<hbm>> -> memref<1x192x1024xi8, #tpu.memory_space<hbm>>
      %dma_wait3A_215 = tpu.memref_squeeze %dma_wait3A_214 : memref<1x192x1024xi8, #tpu.memory_space<hbm>> -> memref<192x1024xi8, #tpu.memory_space<hbm>>
      %dma_wait3A_216 = arith.constant 576 : i32
      %dma_wait3A_217 = arith.constant 0 : i32
      %dma_wait3A_218 = tpu.memref_slice %arg7[%rem3A_207, %dma_wait3A_216, %dma_wait3A_217] : memref<4x768x1024xi8, #tpu.memory_space<vmem>> -> memref<1x192x1024xi8, #tpu.memory_space<vmem>>
      %dma_wait3A_219 = tpu.memref_squeeze %dma_wait3A_218 : memref<1x192x1024xi8, #tpu.memory_space<vmem>> -> memref<192x1024xi8, #tpu.memory_space<vmem>>
      tpu.wait_dma2 semaphore(%dma_wait3A_211 : memref<!tpu.dma_semaphore, #tpu.memory_space<semaphore_mem>>) src(%dma_wait3A_219 : memref<192x1024xi8, #tpu.memory_space<vmem>>) dst(%dma_wait3A_215 : memref<192x1024xi8, #tpu.memory_space<hbm>>)
      %rem3A_220 = arith.constant 29 : i32
      %rem3A_221 = arith.constant 4 : i32
      %rem3A_222 = arith.remsi %rem3A_220, %rem3A_221 : i32
      %dma_wait3A_223 = arith.constant 29 : i32
      %dma_wait3A_224 = arith.constant 0 : i32
      %dma_wait3A_225 = tpu.memref_slice %arg11[%rem3A_222, %dma_wait3A_224] : memref<4x4x!tpu.dma_semaphore, #tpu.memory_space<semaphore_mem>> -> memref<1x1x!tpu.dma_semaphore, #tpu.memory_space<semaphore_mem>>
      %dma_wait3A_226 = tpu.memref_squeeze %dma_wait3A_225 : memref<1x1x!tpu.dma_semaphore, #tpu.memory_space<semaphore_mem>> -> memref<!tpu.dma_semaphore, #tpu.memory_space<semaphore_mem>>
      %dma_wait3A_227 = arith.constant 0 : i32
      %dma_wait3A_228 = arith.constant 0 : i32
      %dma_wait3A_229 = tpu.memref_slice %arg2[%dma_wait3A_223, %dma_wait3A_227, %dma_wait3A_228] : memref<32x768x1024xi8, #tpu.memory_space<hbm>> -> memref<1x192x1024xi8, #tpu.memory_space<hbm>>
      %dma_wait3A_230 = tpu.memref_squeeze %dma_wait3A_229 : memref<1x192x1024xi8, #tpu.memory_space<hbm>> -> memref<192x1024xi8, #tpu.memory_space<hbm>>
      %dma_wait3A_231 = arith.constant 0 : i32
      %dma_wait3A_232 = arith.constant 0 : i32
      %dma_wait3A_233 = tpu.memref_slice %arg7[%rem3A_222, %dma_wait3A_231, %dma_wait3A_232] : memref<4x768x1024xi8, #tpu.memory_space<vmem>> -> memref<1x192x1024xi8, #tpu.memory_space<vmem>>
      %dma_wait3A_234 = tpu.memref_squeeze %dma_wait3A_233 : memref<1x192x1024xi8, #tpu.memory_space<vmem>> -> memref<192x1024xi8, #tpu.memory_space<vmem>>
      tpu.wait_dma2 semaphore(%dma_wait3A_226 : memref<!tpu.dma_semaphore, #tpu.memory_space<semaphore_mem>>) src(%dma_wait3A_234 : memref<192x1024xi8, #tpu.memory_space<vmem>>) dst(%dma_wait3A_230 : memref<192x1024xi8, #tpu.memory_space<hbm>>)
      %rem3A_235 = arith.constant 29 : i32
      %rem3A_236 = arith.constant 4 : i32
      %rem3A_237 = arith.remsi %rem3A_235, %rem3A_236 : i32
      %dma_wait3A_238 = arith.constant 29 : i32
      %dma_wait3A_239 = arith.constant 1 : i32
      %dma_wait3A_240 = tpu.memref_slice %arg11[%rem3A_237, %dma_wait3A_239] : memref<4x4x!tpu.dma_semaphore, #tpu.memory_space<semaphore_mem>> -> memref<1x1x!tpu.dma_semaphore, #tpu.memory_space<semaphore_mem>>
      %dma_wait3A_241 = tpu.memref_squeeze %dma_wait3A_240 : memref<1x1x!tpu.dma_semaphore, #tpu.memory_space<semaphore_mem>> -> memref<!tpu.dma_semaphore, #tpu.memory_space<semaphore_mem>>
      %dma_wait3A_242 = arith.constant 192 : i32
      %dma_wait3A_243 = arith.constant 0 : i32
      %dma_wait3A_244 = tpu.memref_slice %arg2[%dma_wait3A_238, %dma_wait3A_242, %dma_wait3A_243] : memref<32x768x1024xi8, #tpu.memory_space<hbm>> -> memref<1x192x1024xi8, #tpu.memory_space<hbm>>
      %dma_wait3A_245 = tpu.memref_squeeze %dma_wait3A_244 : memref<1x192x1024xi8, #tpu.memory_space<hbm>> -> memref<192x1024xi8, #tpu.memory_space<hbm>>
      %dma_wait3A_246 = arith.constant 192 : i32
      %dma_wait3A_247 = arith.constant 0 : i32
      %dma_wait3A_248 = tpu.memref_slice %arg7[%rem3A_237, %dma_wait3A_246, %dma_wait3A_247] : memref<4x768x1024xi8, #tpu.memory_space<vmem>> -> memref<1x192x1024xi8, #tpu.memory_space<vmem>>
      %dma_wait3A_249 = tpu.memref_squeeze %dma_wait3A_248 : memref<1x192x1024xi8, #tpu.memory_space<vmem>> -> memref<192x1024xi8, #tpu.memory_space<vmem>>
      tpu.wait_dma2 semaphore(%dma_wait3A_241 : memref<!tpu.dma_semaphore, #tpu.memory_space<semaphore_mem>>) src(%dma_wait3A_249 : memref<192x1024xi8, #tpu.memory_space<vmem>>) dst(%dma_wait3A_245 : memref<192x1024xi8, #tpu.memory_space<hbm>>)
      %rem3A_250 = arith.constant 29 : i32
      %rem3A_251 = arith.constant 4 : i32
      %rem3A_252 = arith.remsi %rem3A_250, %rem3A_251 : i32
      %dma_wait3A_253 = arith.constant 29 : i32
      %dma_wait3A_254 = arith.constant 2 : i32
      %dma_wait3A_255 = tpu.memref_slice %arg11[%rem3A_252, %dma_wait3A_254] : memref<4x4x!tpu.dma_semaphore, #tpu.memory_space<semaphore_mem>> -> memref<1x1x!tpu.dma_semaphore, #tpu.memory_space<semaphore_mem>>
      %dma_wait3A_256 = tpu.memref_squeeze %dma_wait3A_255 : memref<1x1x!tpu.dma_semaphore, #tpu.memory_space<semaphore_mem>> -> memref<!tpu.dma_semaphore, #tpu.memory_space<semaphore_mem>>
      %dma_wait3A_257 = arith.constant 384 : i32
      %dma_wait3A_258 = arith.constant 0 : i32
      %dma_wait3A_259 = tpu.memref_slice %arg2[%dma_wait3A_253, %dma_wait3A_257, %dma_wait3A_258] : memref<32x768x1024xi8, #tpu.memory_space<hbm>> -> memref<1x192x1024xi8, #tpu.memory_space<hbm>>
      %dma_wait3A_260 = tpu.memref_squeeze %dma_wait3A_259 : memref<1x192x1024xi8, #tpu.memory_space<hbm>> -> memref<192x1024xi8, #tpu.memory_space<hbm>>
      %dma_wait3A_261 = arith.constant 384 : i32
      %dma_wait3A_262 = arith.constant 0 : i32
      %dma_wait3A_263 = tpu.memref_slice %arg7[%rem3A_252, %dma_wait3A_261, %dma_wait3A_262] : memref<4x768x1024xi8, #tpu.memory_space<vmem>> -> memref<1x192x1024xi8, #tpu.memory_space<vmem>>
      %dma_wait3A_264 = tpu.memref_squeeze %dma_wait3A_263 : memref<1x192x1024xi8, #tpu.memory_space<vmem>> -> memref<192x1024xi8, #tpu.memory_space<vmem>>
      tpu.wait_dma2 semaphore(%dma_wait3A_256 : memref<!tpu.dma_semaphore, #tpu.memory_space<semaphore_mem>>) src(%dma_wait3A_264 : memref<192x1024xi8, #tpu.memory_space<vmem>>) dst(%dma_wait3A_260 : memref<192x1024xi8, #tpu.memory_space<hbm>>)
      %rem3A_265 = arith.constant 29 : i32
      %rem3A_266 = arith.constant 4 : i32
      %rem3A_267 = arith.remsi %rem3A_265, %rem3A_266 : i32
      %dma_wait3A_268 = arith.constant 29 : i32
      %dma_wait3A_269 = arith.constant 3 : i32
      %dma_wait3A_270 = tpu.memref_slice %arg11[%rem3A_267, %dma_wait3A_269] : memref<4x4x!tpu.dma_semaphore, #tpu.memory_space<semaphore_mem>> -> memref<1x1x!tpu.dma_semaphore, #tpu.memory_space<semaphore_mem>>
      %dma_wait3A_271 = tpu.memref_squeeze %dma_wait3A_270 : memref<1x1x!tpu.dma_semaphore, #tpu.memory_space<semaphore_mem>> -> memref<!tpu.dma_semaphore, #tpu.memory_space<semaphore_mem>>
      %dma_wait3A_272 = arith.constant 576 : i32
      %dma_wait3A_273 = arith.constant 0 : i32
      %dma_wait3A_274 = tpu.memref_slice %arg2[%dma_wait3A_268, %dma_wait3A_272, %dma_wait3A_273] : memref<32x768x1024xi8, #tpu.memory_space<hbm>> -> memref<1x192x1024xi8, #tpu.memory_space<hbm>>
      %dma_wait3A_275 = tpu.memref_squeeze %dma_wait3A_274 : memref<1x192x1024xi8, #tpu.memory_space<hbm>> -> memref<192x1024xi8, #tpu.memory_space<hbm>>
      %dma_wait3A_276 = arith.constant 576 : i32
      %dma_wait3A_277 = arith.constant 0 : i32
      %dma_wait3A_278 = tpu.memref_slice %arg7[%rem3A_267, %dma_wait3A_276, %dma_wait3A_277] : memref<4x768x1024xi8, #tpu.memory_space<vmem>> -> memref<1x192x1024xi8, #tpu.memory_space<vmem>>
      %dma_wait3A_279 = tpu.memref_squeeze %dma_wait3A_278 : memref<1x192x1024xi8, #tpu.memory_space<vmem>> -> memref<192x1024xi8, #tpu.memory_space<vmem>>
      tpu.wait_dma2 semaphore(%dma_wait3A_271 : memref<!tpu.dma_semaphore, #tpu.memory_space<semaphore_mem>>) src(%dma_wait3A_279 : memref<192x1024xi8, #tpu.memory_space<vmem>>) dst(%dma_wait3A_275 : memref<192x1024xi8, #tpu.memory_space<hbm>>)
      %rem3A_280 = arith.constant 30 : i32
      %rem3A_281 = arith.constant 4 : i32
      %rem3A_282 = arith.remsi %rem3A_280, %rem3A_281 : i32
      %dma_wait3A_283 = arith.constant 30 : i32
      %dma_wait3A_284 = arith.constant 0 : i32
      %dma_wait3A_285 = tpu.memref_slice %arg11[%rem3A_282, %dma_wait3A_284] : memref<4x4x!tpu.dma_semaphore, #tpu.memory_space<semaphore_mem>> -> memref<1x1x!tpu.dma_semaphore, #tpu.memory_space<semaphore_mem>>
      %dma_wait3A_286 = tpu.memref_squeeze %dma_wait3A_285 : memref<1x1x!tpu.dma_semaphore, #tpu.memory_space<semaphore_mem>> -> memref<!tpu.dma_semaphore, #tpu.memory_space<semaphore_mem>>
      %dma_wait3A_287 = arith.constant 0 : i32
      %dma_wait3A_288 = arith.constant 0 : i32
      %dma_wait3A_289 = tpu.memref_slice %arg2[%dma_wait3A_283, %dma_wait3A_287, %dma_wait3A_288] : memref<32x768x1024xi8, #tpu.memory_space<hbm>> -> memref<1x192x1024xi8, #tpu.memory_space<hbm>>
      %dma_wait3A_290 = tpu.memref_squeeze %dma_wait3A_289 : memref<1x192x1024xi8, #tpu.memory_space<hbm>> -> memref<192x1024xi8, #tpu.memory_space<hbm>>
      %dma_wait3A_291 = arith.constant 0 : i32
      %dma_wait3A_292 = arith.constant 0 : i32
      %dma_wait3A_293 = tpu.memref_slice %arg7[%rem3A_282, %dma_wait3A_291, %dma_wait3A_292] : memref<4x768x1024xi8, #tpu.memory_space<vmem>> -> memref<1x192x1024xi8, #tpu.memory_space<vmem>>
      %dma_wait3A_294 = tpu.memref_squeeze %dma_wait3A_293 : memref<1x192x1024xi8, #tpu.memory_space<vmem>> -> memref<192x1024xi8, #tpu.memory_space<vmem>>
      tpu.wait_dma2 semaphore(%dma_wait3A_286 : memref<!tpu.dma_semaphore, #tpu.memory_space<semaphore_mem>>) src(%dma_wait3A_294 : memref<192x1024xi8, #tpu.memory_space<vmem>>) dst(%dma_wait3A_290 : memref<192x1024xi8, #tpu.memory_space<hbm>>)
      %rem3A_295 = arith.constant 30 : i32
      %rem3A_296 = arith.constant 4 : i32
      %rem3A_297 = arith.remsi %rem3A_295, %rem3A_296 : i32
      %dma_wait3A_298 = arith.constant 30 : i32
      %dma_wait3A_299 = arith.constant 1 : i32
      %dma_wait3A_300 = tpu.memref_slice %arg11[%rem3A_297, %dma_wait3A_299] : memref<4x4x!tpu.dma_semaphore, #tpu.memory_space<semaphore_mem>> -> memref<1x1x!tpu.dma_semaphore, #tpu.memory_space<semaphore_mem>>
      %dma_wait3A_301 = tpu.memref_squeeze %dma_wait3A_300 : memref<1x1x!tpu.dma_semaphore, #tpu.memory_space<semaphore_mem>> -> memref<!tpu.dma_semaphore, #tpu.memory_space<semaphore_mem>>
      %dma_wait3A_302 = arith.constant 192 : i32
      %dma_wait3A_303 = arith.constant 0 : i32
      %dma_wait3A_304 = tpu.memref_slice %arg2[%dma_wait3A_298, %dma_wait3A_302, %dma_wait3A_303] : memref<32x768x1024xi8, #tpu.memory_space<hbm>> -> memref<1x192x1024xi8, #tpu.memory_space<hbm>>
      %dma_wait3A_305 = tpu.memref_squeeze %dma_wait3A_304 : memref<1x192x1024xi8, #tpu.memory_space<hbm>> -> memref<192x1024xi8, #tpu.memory_space<hbm>>
      %dma_wait3A_306 = arith.constant 192 : i32
      %dma_wait3A_307 = arith.constant 0 : i32
      %dma_wait3A_308 = tpu.memref_slice %arg7[%rem3A_297, %dma_wait3A_306, %dma_wait3A_307] : memref<4x768x1024xi8, #tpu.memory_space<vmem>> -> memref<1x192x1024xi8, #tpu.memory_space<vmem>>
      %dma_wait3A_309 = tpu.memref_squeeze %dma_wait3A_308 : memref<1x192x1024xi8, #tpu.memory_space<vmem>> -> memref<192x1024xi8, #tpu.memory_space<vmem>>
      tpu.wait_dma2 semaphore(%dma_wait3A_301 : memref<!tpu.dma_semaphore, #tpu.memory_space<semaphore_mem>>) src(%dma_wait3A_309 : memref<192x1024xi8, #tpu.memory_space<vmem>>) dst(%dma_wait3A_305 : memref<192x1024xi8, #tpu.memory_space<hbm>>)
      %rem3A_310 = arith.constant 30 : i32
      %rem3A_311 = arith.constant 4 : i32
      %rem3A_312 = arith.remsi %rem3A_310, %rem3A_311 : i32
      %dma_wait3A_313 = arith.constant 30 : i32
      %dma_wait3A_314 = arith.constant 2 : i32
      %dma_wait3A_315 = tpu.memref_slice %arg11[%rem3A_312, %dma_wait3A_314] : memref<4x4x!tpu.dma_semaphore, #tpu.memory_space<semaphore_mem>> -> memref<1x1x!tpu.dma_semaphore, #tpu.memory_space<semaphore_mem>>
      %dma_wait3A_316 = tpu.memref_squeeze %dma_wait3A_315 : memref<1x1x!tpu.dma_semaphore, #tpu.memory_space<semaphore_mem>> -> memref<!tpu.dma_semaphore, #tpu.memory_space<semaphore_mem>>
      %dma_wait3A_317 = arith.constant 384 : i32
      %dma_wait3A_318 = arith.constant 0 : i32
      %dma_wait3A_319 = tpu.memref_slice %arg2[%dma_wait3A_313, %dma_wait3A_317, %dma_wait3A_318] : memref<32x768x1024xi8, #tpu.memory_space<hbm>> -> memref<1x192x1024xi8, #tpu.memory_space<hbm>>
      %dma_wait3A_320 = tpu.memref_squeeze %dma_wait3A_319 : memref<1x192x1024xi8, #tpu.memory_space<hbm>> -> memref<192x1024xi8, #tpu.memory_space<hbm>>
      %dma_wait3A_321 = arith.constant 384 : i32
      %dma_wait3A_322 = arith.constant 0 : i32
      %dma_wait3A_323 = tpu.memref_slice %arg7[%rem3A_312, %dma_wait3A_321, %dma_wait3A_322] : memref<4x768x1024xi8, #tpu.memory_space<vmem>> -> memref<1x192x1024xi8, #tpu.memory_space<vmem>>
      %dma_wait3A_324 = tpu.memref_squeeze %dma_wait3A_323 : memref<1x192x1024xi8, #tpu.memory_space<vmem>> -> memref<192x1024xi8, #tpu.memory_space<vmem>>
      tpu.wait_dma2 semaphore(%dma_wait3A_316 : memref<!tpu.dma_semaphore, #tpu.memory_space<semaphore_mem>>) src(%dma_wait3A_324 : memref<192x1024xi8, #tpu.memory_space<vmem>>) dst(%dma_wait3A_320 : memref<192x1024xi8, #tpu.memory_space<hbm>>)
      %rem3A_325 = arith.constant 30 : i32
      %rem3A_326 = arith.constant 4 : i32
      %rem3A_327 = arith.remsi %rem3A_325, %rem3A_326 : i32
      %dma_wait3A_328 = arith.constant 30 : i32
      %dma_wait3A_329 = arith.constant 3 : i32
      %dma_wait3A_330 = tpu.memref_slice %arg11[%rem3A_327, %dma_wait3A_329] : memref<4x4x!tpu.dma_semaphore, #tpu.memory_space<semaphore_mem>> -> memref<1x1x!tpu.dma_semaphore, #tpu.memory_space<semaphore_mem>>
      %dma_wait3A_331 = tpu.memref_squeeze %dma_wait3A_330 : memref<1x1x!tpu.dma_semaphore, #tpu.memory_space<semaphore_mem>> -> memref<!tpu.dma_semaphore, #tpu.memory_space<semaphore_mem>>
      %dma_wait3A_332 = arith.constant 576 : i32
      %dma_wait3A_333 = arith.constant 0 : i32
      %dma_wait3A_334 = tpu.memref_slice %arg2[%dma_wait3A_328, %dma_wait3A_332, %dma_wait3A_333] : memref<32x768x1024xi8, #tpu.memory_space<hbm>> -> memref<1x192x1024xi8, #tpu.memory_space<hbm>>
      %dma_wait3A_335 = tpu.memref_squeeze %dma_wait3A_334 : memref<1x192x1024xi8, #tpu.memory_space<hbm>> -> memref<192x1024xi8, #tpu.memory_space<hbm>>
      %dma_wait3A_336 = arith.constant 576 : i32
      %dma_wait3A_337 = arith.constant 0 : i32
      %dma_wait3A_338 = tpu.memref_slice %arg7[%rem3A_327, %dma_wait3A_336, %dma_wait3A_337] : memref<4x768x1024xi8, #tpu.memory_space<vmem>> -> memref<1x192x1024xi8, #tpu.memory_space<vmem>>
      %dma_wait3A_339 = tpu.memref_squeeze %dma_wait3A_338 : memref<1x192x1024xi8, #tpu.memory_space<vmem>> -> memref<192x1024xi8, #tpu.memory_space<vmem>>
      tpu.wait_dma2 semaphore(%dma_wait3A_331 : memref<!tpu.dma_semaphore, #tpu.memory_space<semaphore_mem>>) src(%dma_wait3A_339 : memref<192x1024xi8, #tpu.memory_space<vmem>>) dst(%dma_wait3A_335 : memref<192x1024xi8, #tpu.memory_space<hbm>>)
      %rem3A_340 = arith.constant 31 : i32
      %rem3A_341 = arith.constant 4 : i32
      %rem3A_342 = arith.remsi %rem3A_340, %rem3A_341 : i32
      %dma_wait3A_343 = arith.constant 31 : i32
      %dma_wait3A_344 = arith.constant 0 : i32
      %dma_wait3A_345 = tpu.memref_slice %arg11[%rem3A_342, %dma_wait3A_344] : memref<4x4x!tpu.dma_semaphore, #tpu.memory_space<semaphore_mem>> -> memref<1x1x!tpu.dma_semaphore, #tpu.memory_space<semaphore_mem>>
      %dma_wait3A_346 = tpu.memref_squeeze %dma_wait3A_345 : memref<1x1x!tpu.dma_semaphore, #tpu.memory_space<semaphore_mem>> -> memref<!tpu.dma_semaphore, #tpu.memory_space<semaphore_mem>>
      %dma_wait3A_347 = arith.constant 0 : i32
      %dma_wait3A_348 = arith.constant 0 : i32
      %dma_wait3A_349 = tpu.memref_slice %arg2[%dma_wait3A_343, %dma_wait3A_347, %dma_wait3A_348] : memref<32x768x1024xi8, #tpu.memory_space<hbm>> -> memref<1x192x1024xi8, #tpu.memory_space<hbm>>
      %dma_wait3A_350 = tpu.memref_squeeze %dma_wait3A_349 : memref<1x192x1024xi8, #tpu.memory_space<hbm>> -> memref<192x1024xi8, #tpu.memory_space<hbm>>
      %dma_wait3A_351 = arith.constant 0 : i32
      %dma_wait3A_352 = arith.constant 0 : i32
      %dma_wait3A_353 = tpu.memref_slice %arg7[%rem3A_342, %dma_wait3A_351, %dma_wait3A_352] : memref<4x768x1024xi8, #tpu.memory_space<vmem>> -> memref<1x192x1024xi8, #tpu.memory_space<vmem>>
      %dma_wait3A_354 = tpu.memref_squeeze %dma_wait3A_353 : memref<1x192x1024xi8, #tpu.memory_space<vmem>> -> memref<192x1024xi8, #tpu.memory_space<vmem>>
      tpu.wait_dma2 semaphore(%dma_wait3A_346 : memref<!tpu.dma_semaphore, #tpu.memory_space<semaphore_mem>>) src(%dma_wait3A_354 : memref<192x1024xi8, #tpu.memory_space<vmem>>) dst(%dma_wait3A_350 : memref<192x1024xi8, #tpu.memory_space<hbm>>)
      %rem3A_355 = arith.constant 31 : i32
      %rem3A_356 = arith.constant 4 : i32
      %rem3A_357 = arith.remsi %rem3A_355, %rem3A_356 : i32
      %dma_wait3A_358 = arith.constant 31 : i32
      %dma_wait3A_359 = arith.constant 1 : i32
      %dma_wait3A_360 = tpu.memref_slice %arg11[%rem3A_357, %dma_wait3A_359] : memref<4x4x!tpu.dma_semaphore, #tpu.memory_space<semaphore_mem>> -> memref<1x1x!tpu.dma_semaphore, #tpu.memory_space<semaphore_mem>>
      %dma_wait3A_361 = tpu.memref_squeeze %dma_wait3A_360 : memref<1x1x!tpu.dma_semaphore, #tpu.memory_space<semaphore_mem>> -> memref<!tpu.dma_semaphore, #tpu.memory_space<semaphore_mem>>
      %dma_wait3A_362 = arith.constant 192 : i32
      %dma_wait3A_363 = arith.constant 0 : i32
      %dma_wait3A_364 = tpu.memref_slice %arg2[%dma_wait3A_358, %dma_wait3A_362, %dma_wait3A_363] : memref<32x768x1024xi8, #tpu.memory_space<hbm>> -> memref<1x192x1024xi8, #tpu.memory_space<hbm>>
      %dma_wait3A_365 = tpu.memref_squeeze %dma_wait3A_364 : memref<1x192x1024xi8, #tpu.memory_space<hbm>> -> memref<192x1024xi8, #tpu.memory_space<hbm>>
      %dma_wait3A_366 = arith.constant 192 : i32
      %dma_wait3A_367 = arith.constant 0 : i32
      %dma_wait3A_368 = tpu.memref_slice %arg7[%rem3A_357, %dma_wait3A_366, %dma_wait3A_367] : memref<4x768x1024xi8, #tpu.memory_space<vmem>> -> memref<1x192x1024xi8, #tpu.memory_space<vmem>>
      %dma_wait3A_369 = tpu.memref_squeeze %dma_wait3A_368 : memref<1x192x1024xi8, #tpu.memory_space<vmem>> -> memref<192x1024xi8, #tpu.memory_space<vmem>>
      tpu.wait_dma2 semaphore(%dma_wait3A_361 : memref<!tpu.dma_semaphore, #tpu.memory_space<semaphore_mem>>) src(%dma_wait3A_369 : memref<192x1024xi8, #tpu.memory_space<vmem>>) dst(%dma_wait3A_365 : memref<192x1024xi8, #tpu.memory_space<hbm>>)
      %rem3A_370 = arith.constant 31 : i32
      %rem3A_371 = arith.constant 4 : i32
      %rem3A_372 = arith.remsi %rem3A_370, %rem3A_371 : i32
      %dma_wait3A_373 = arith.constant 31 : i32
      %dma_wait3A_374 = arith.constant 2 : i32
      %dma_wait3A_375 = tpu.memref_slice %arg11[%rem3A_372, %dma_wait3A_374] : memref<4x4x!tpu.dma_semaphore, #tpu.memory_space<semaphore_mem>> -> memref<1x1x!tpu.dma_semaphore, #tpu.memory_space<semaphore_mem>>
      %dma_wait3A_376 = tpu.memref_squeeze %dma_wait3A_375 : memref<1x1x!tpu.dma_semaphore, #tpu.memory_space<semaphore_mem>> -> memref<!tpu.dma_semaphore, #tpu.memory_space<semaphore_mem>>
      %dma_wait3A_377 = arith.constant 384 : i32
      %dma_wait3A_378 = arith.constant 0 : i32
      %dma_wait3A_379 = tpu.memref_slice %arg2[%dma_wait3A_373, %dma_wait3A_377, %dma_wait3A_378] : memref<32x768x1024xi8, #tpu.memory_space<hbm>> -> memref<1x192x1024xi8, #tpu.memory_space<hbm>>
      %dma_wait3A_380 = tpu.memref_squeeze %dma_wait3A_379 : memref<1x192x1024xi8, #tpu.memory_space<hbm>> -> memref<192x1024xi8, #tpu.memory_space<hbm>>
      %dma_wait3A_381 = arith.constant 384 : i32
      %dma_wait3A_382 = arith.constant 0 : i32
      %dma_wait3A_383 = tpu.memref_slice %arg7[%rem3A_372, %dma_wait3A_381, %dma_wait3A_382] : memref<4x768x1024xi8, #tpu.memory_space<vmem>> -> memref<1x192x1024xi8, #tpu.memory_space<vmem>>
      %dma_wait3A_384 = tpu.memref_squeeze %dma_wait3A_383 : memref<1x192x1024xi8, #tpu.memory_space<vmem>> -> memref<192x1024xi8, #tpu.memory_space<vmem>>
      tpu.wait_dma2 semaphore(%dma_wait3A_376 : memref<!tpu.dma_semaphore, #tpu.memory_space<semaphore_mem>>) src(%dma_wait3A_384 : memref<192x1024xi8, #tpu.memory_space<vmem>>) dst(%dma_wait3A_380 : memref<192x1024xi8, #tpu.memory_space<hbm>>)
      %rem3A_385 = arith.constant 31 : i32
      %rem3A_386 = arith.constant 4 : i32
      %rem3A_387 = arith.remsi %rem3A_385, %rem3A_386 : i32
      %dma_wait3A_388 = arith.constant 31 : i32
      %dma_wait3A_389 = arith.constant 3 : i32
      %dma_wait3A_390 = tpu.memref_slice %arg11[%rem3A_387, %dma_wait3A_389] : memref<4x4x!tpu.dma_semaphore, #tpu.memory_space<semaphore_mem>> -> memref<1x1x!tpu.dma_semaphore, #tpu.memory_space<semaphore_mem>>
      %dma_wait3A_391 = tpu.memref_squeeze %dma_wait3A_390 : memref<1x1x!tpu.dma_semaphore, #tpu.memory_space<semaphore_mem>> -> memref<!tpu.dma_semaphore, #tpu.memory_space<semaphore_mem>>
      %dma_wait3A_392 = arith.constant 576 : i32
      %dma_wait3A_393 = arith.constant 0 : i32
      %dma_wait3A_394 = tpu.memref_slice %arg2[%dma_wait3A_388, %dma_wait3A_392, %dma_wait3A_393] : memref<32x768x1024xi8, #tpu.memory_space<hbm>> -> memref<1x192x1024xi8, #tpu.memory_space<hbm>>
      %dma_wait3A_395 = tpu.memref_squeeze %dma_wait3A_394 : memref<1x192x1024xi8, #tpu.memory_space<hbm>> -> memref<192x1024xi8, #tpu.memory_space<hbm>>
      %dma_wait3A_396 = arith.constant 576 : i32
      %dma_wait3A_397 = arith.constant 0 : i32
      %dma_wait3A_398 = tpu.memref_slice %arg7[%rem3A_387, %dma_wait3A_396, %dma_wait3A_397] : memref<4x768x1024xi8, #tpu.memory_space<vmem>> -> memref<1x192x1024xi8, #tpu.memory_space<vmem>>
      %dma_wait3A_399 = tpu.memref_squeeze %dma_wait3A_398 : memref<1x192x1024xi8, #tpu.memory_space<vmem>> -> memref<192x1024xi8, #tpu.memory_space<vmem>>
      tpu.wait_dma2 semaphore(%dma_wait3A_391 : memref<!tpu.dma_semaphore, #tpu.memory_space<semaphore_mem>>) src(%dma_wait3A_399 : memref<192x1024xi8, #tpu.memory_space<vmem>>) dst(%dma_wait3A_395 : memref<192x1024xi8, #tpu.memory_space<hbm>>)
      %get3A_400 = arith.constant 0 : index
      %get3A_401 = arith.constant 0 : index
      %get3A_402 = vector.load %arg8[%get3A_400, %get3A_401] : memref<768x1xf32, #tpu.memory_space<vmem>>, vector<768x1xf32>
      %div3A_403 = arith.constant 3.276800e+04 : f32
      %div3A_404 = vector.broadcast %div3A_403 : f32 to vector<768x1xf32>
      %div3A_405 = arith.divf %get3A_402, %div3A_404 : vector<768x1xf32>
      %mul3A_406 = arith.constant 7.680000e+02 : f32
      %mul3A_407 = vector.broadcast %mul3A_406 : f32 to vector<768x1xf32>
      %mul3A_408 = arith.mulf %div3A_405, %mul3A_407 : vector<768x1xf32>
      %sub3A_409 = arith.constant 1.000000e+00 : f32
      %sub3A_410 = vector.broadcast %sub3A_409 : f32 to vector<768x1xf32>
      %sub3A_411 = arith.subf %mul3A_408, %sub3A_410 : vector<768x1xf32>
      %integer_pow3A = arith.mulf %sub3A_411, %sub3A_411 : vector<768x1xf32>
      %reduce_sum3A_412 = vector.shape_cast %integer_pow3A : vector<768x1xf32> to vector<1x768x1xf32>
      %reduce_sum3A_413 = arith.constant dense<0.000000e+00> : vector<1xf32>
      %reduce_sum3A_414 = vector.multi_reduction <add>, %reduce_sum3A_412, %reduce_sum3A_413 [1, 2] : vector<1x768x1xf32> to vector<1xf32>
      %reduce_sum3A_415 = vector.shape_cast %reduce_sum3A_414 : vector<1xf32> to vector<1x1x1xf32>
      %reduce_sum3A_416 = vector.extract %reduce_sum3A_415[0, 0, 0] : f32 from vector<1x1x1xf32>
      %broadcast_in_dim3A_417 = vector.broadcast %reduce_sum3A_416 : f32 to vector<1x1xf32>
      %div3A_418 = arith.constant 7.680000e+02 : f32
      %div3A_419 = vector.broadcast %div3A_418 : f32 to vector<1x1xf32>
      %div3A_420 = arith.divf %broadcast_in_dim3A_417, %div3A_419 : vector<1x1xf32>
      %swap3A_421 = arith.constant 0 : index
      %swap3A_422 = arith.constant 0 : index
      %swap3A_423 = vector.load %arg4[%swap3A_421, %swap3A_422] : memref<1x1xf32, #tpu.memory_space<vmem>>, vector<1x1xf32>
      tpu.vector_store %arg4[%swap3A_421, %swap3A_422], %div3A_420 {strides = array<i32>} : memref<1x1xf32, #tpu.memory_space<vmem>>, vector<1x1xf32>,
      %get3A_424 = arith.constant 0 : index
      %get3A_425 = arith.constant 0 : index
      %get3A_426 = vector.load %arg9[%get3A_424, %get3A_425] : memref<768x1xf32, #tpu.memory_space<vmem>>, vector<768x1xf32>
      %div3A_427 = arith.constant 3.276800e+04 : f32
      %div3A_428 = vector.broadcast %div3A_427 : f32 to vector<768x1xf32>
      %div3A_429 = arith.divf %get3A_426, %div3A_428 : vector<768x1xf32>
      %add3A_430 = arith.constant 1.000000e-10 : f32
      %add3A_431 = vector.broadcast %add3A_430 : f32 to vector<768x1xf32>
      %add3A_432 = arith.addf %div3A_429, %add3A_431 : vector<768x1xf32>
      %log3A = math.log %add3A_432 : vector<768x1xf32>
      %mul3A_433 = arith.mulf %div3A_429, %log3A : vector<768x1xf32>
      %reduce_sum3A_434 = vector.shape_cast %mul3A_433 : vector<768x1xf32> to vector<1x768x1xf32>
      %reduce_sum3A_435 = arith.constant dense<0.000000e+00> : vector<1xf32>
      %reduce_sum3A_436 = vector.multi_reduction <add>, %reduce_sum3A_434, %reduce_sum3A_435 [1, 2] : vector<1x768x1xf32> to vector<1xf32>
      %reduce_sum3A_437 = vector.shape_cast %reduce_sum3A_436 : vector<1xf32> to vector<1x1x1xf32>
      %reduce_sum3A_438 = vector.extract %reduce_sum3A_437[0, 0, 0] : f32 from vector<1x1x1xf32>
      %broadcast_in_dim3A_439 = vector.broadcast %reduce_sum3A_438 : f32 to vector<1x1xf32>
      %neg3A = arith.constant 0.000000e+00 : f32
      %neg3A_440 = vector.broadcast %neg3A : f32 to vector<1x1xf32>
      %neg3A_441 = arith.subf %neg3A_440, %broadcast_in_dim3A_439 : vector<1x1xf32>
      %exp3A = math.exp %neg3A_441 : vector<1x1xf32>
      %swap3A_442 = arith.constant 0 : index
      %swap3A_443 = arith.constant 0 : index
      %swap3A_444 = vector.load %arg5[%swap3A_442, %swap3A_443] : memref<1x1xf32, #tpu.memory_space<vmem>>, vector<1x1xf32>
      tpu.vector_store %arg5[%swap3A_442, %swap3A_443], %exp3A {strides = array<i32>} : memref<1x1xf32, #tpu.memory_space<vmem>>, vector<1x1xf32>,
    } else {
    }
    return
  }
  func.func @transform_2(%arg0: i32) -> (i32, i32, i32) {
    %c0_i32 = arith.constant 0 : i32
    %c0_i32_0 = arith.constant 0 : i32
    %c0_i32_1 = arith.constant 0 : i32
    return %arg0, %c0_i32, %c0_i32_0 : i32, i32, i32
  }
  func.func @transform_3(%arg0: i32) -> (i32, i32) {
    %c0_i32 = arith.constant 0 : i32
    %c0_i32_0 = arith.constant 0 : i32
    %c0_i32_1 = arith.constant 0 : i32
    return %c0_i32, %c0_i32_0 : i32, i32
  }
  func.func @transform_4(%arg0: i32) -> (i32, i32) {
    %c0_i32 = arith.constant 0 : i32
    %c0_i32_0 = arith.constant 0 : i32
    %c0_i32_1 = arith.constant 0 : i32
    return %c0_i32, %c0_i32_0 : i32, i32
  }
}

</mosaic_0001>

<sc_bundles>
// kernel: sparse-core-data-format-call.cloned.1.call-start
scs
called_computation_lowered:
.L_overlay_start_0:
0x0: {  	s2 =	sld [smem:$0x3FD9]  }
0x1: {  	s3 =	sld [smem:$0x3FFE];
	_ =	sdelay $0x1  }
0x2: {  	s1 =	srdreg.scid  }
0x3: {  	s0 =	sand.u32 $0x1, s1  }
0x4: {  	s15 =	sshll.u32 s0, $0xA;
	s2 =	sadd.s32 s3, s2  }
0x5: {  	s2 =	sadd.s32 s2, s15  }
0x6: {  	[smem:$0x3FC7] =	sst s2  }
0x7: {  	_ = 	snop  }
0x8: {  	s2 =	sld [smem:$0x3FD0];
	_ =	sdelay $0x2  }
0x9: {  	s16 =	simm.s32 $0xA;
	s4 =	simm.s32 $0x10  }
0xa: {  	[smem:s4], [sflag:s16] =	dma.local [hbm:s2], $0x1  }
0xb: {  	_ =	swait.eq [sflag:s16], $0x1  }
0xc: {  	[sflag:s16] =	ssyncset.done $0x0  }
0xd: {  	[sflag:s16] =	ssyncadd.s32 $0xFFFFFFFF  }
0xe: {  	s17 =	sld [smem:$0x10];
	(tm) =	ssettm $0x1  }
0xf: {  	s18 =	sld [smem:$0x3FFB];
	_ =	sdelay $0x3  }
0x10: {  	_ =	strace s18  }
0x11: {  	s3 =	sld [smem:$0x3FFC];
	_ =	sdelay $0x3  }
0x12: {  	_ =	strace s3  }
0x13: {  	s3 =	sld [smem:$0x3FFD];
	_ =	sdelay $0x3  }
0x14: {  	_ =	strace s3  }
0x15: {  	_ =	strace $0x8FFFFFFF  }
0x16: {  	s19 =	sld [smem:$0x3FDB];
	_ =	sdelay $0x1  }
0x17: {  	s20 =	simm.s32 $_scs_section_size  }
0x18: {  	s5 =	simm.s32 $_size__tile_overlayer_lowered;
	s6 =	simm.s32 $_tile_overlayer_lowered  }
0x19: {  	s23 =	simm.s32 $0x1BFF;
	s22 =	sshll.u32 s6, $0x1;
	s3 =	sadd.s32 s20, s19  }
0x1a: {  	s7 =	simm.s32 $0x0;
	s21 =	sshll.u32 s5, $0x1;
	s5 =	sadd.s32 s22, s3  }
0x1b: {  	[timem:s7], [sflag:s23] =	dma.local [hbm:s5], s21  }
0x1c: {  	_ =	swait.ge [sflag:s23], s21  }
0x1d: {  	s4 =	ssub.s32 $0x0, s21;
	[sflag:s23] =	ssyncset.done $0x0  }
0x1e: {  	[sflag:s23] =	ssyncadd.s32 s4;
	_ =	sdelay $0x1  }
0x1f: {  	s24 =	simm.s32 $0x1B8B  }
0x20: {  	_ =	swait.ge [sflag:s24], $0x1  }
0x21: {  	[sflag:s24] =	ssyncset.done $0x0  }
0x22: {  	s26 =	simm.s32 $0x1B8E;
	s25 =	sld [smem:$0x3FFE];
	[sflag:s24] =	ssyncadd.s32 $0xFFFFFFFF  }
0x23: {  	s27 =	simm.s32 $execute0_lowered;
	[smem:$0x3FD2] =	sst s26  }
0x24: {  	s5 =	sshll.u32 s27, $0x1;
	_ =	strace $0x80000046;
	[dreg:$0x1] =	wrdreg $0xFFFFFFFF  }
0x25: {  	s28 =	simm.s32 $_size_execute0_lowered;
	s3 =	sadd.s32 s3, s5;
	[dreg:$0x0] =	wrdreg $0x0  }
0x26: {  	s5 =	sshll.u32 s28, $0x1;
	[dreg:$0x2] =	wrdreg s3  }
0x27: {  	[dreg:$0x3] =	wrdreg s5  }
0x28: {  	[dreg:$0x4] =	wrdreg $0xC0  }
0x29: {  	_ =	task [dreg:s7], $0x5FFFF  }
0x2a: {  	[dreg:$0x1] =	wrdreg $0xFFFFFFFF  }
0x2b: {  	[dreg:$0x0] =	wrdreg $0x60  }
0x2c: {  	[dreg:$0x2] =	wrdreg s25  }
0x2d: {  	[dreg:$0x3] =	wrdreg s17  }
0x2e: {  	[dreg:$0x4] =	wrdreg $0x9  }
0x2f: {  	_ =	task.clear_ibuf [dreg:s7], $0x5FFFF;
	_ =	strace $0x90000046  }
0x30: {  	s29 =	simm.s32 $0x9;
	_ =	strace $0x80000048  }
0x31: {  	_ =	swait.ge [sflag:s29], $0x1  }
0x32: {  	[sflag:s29] =	ssyncadd.s32 $0xFFFFFFFF  }
0x33: {  	_ =	strace $0x90000048  }
0x34: {  	_ =	sfence  }
0x35: {  	s30 =	sld [smem:$0x0];
	_ =	sdelay $0x2  }
0x36: {  	s31 =	sshll.u32 s1, $0xD;
	s1 =	sshrl.u32 s1, $0x2  }
0x37: {  	s3 =	sand.u32 $0x4000, s31;
	s1 =	sadd.s32 s1, s30  }
0x38: {  	s0 =	sor.u32 s3, s0;
	s1 =	sshll.u32 s1, $0x11  }
0x39: {  	s0 =	sor.u32 s1, s0  }
0x3a: {  	s0 =	sadd.s32 $0x8F2B, s0  }
0x3b: {  	[sflag:s0] =	ssyncadd.remote.s32 $0x1  }
0x3c: {  	_ =	sfence.sel $0xFFFF  }
0x3d: {  	[dreg:$0x0] =	wrdreg $0xFFFFFFFF;
	(pc) =	sbr.abs _section_cstart, $3  }
0x3e: {  	[dreg:$0x1] =	wrdreg $0xFFFFFFFF  }
0x3f: {  	_ =	task.clear_ibuf [dreg:s7], $0x2FFFF;
	_ =	strace $0x9FFFFFFF  }
0x40: {  	(tm) =	ssettm $0x7FFFFFFF  }
0x41: {  	_ =	shalt  }
tec
execute0_lowered:
.L_overlay_start_1:
0x0: {  	(tag) =	ssettag $0x1  }
0x1: {  	s1 =	rddreg [dreg:$0x0]  }
0x2: {  	s2 =	rddreg [dreg:$0x1]  }
0x3: {  	s0 =	rddreg [dreg:$0x2]  }
0x4: {  	s4 =	srdreg.scid;
	_ =	strace $0x80000047;
	s6 =	simm.s32 $0x2  }
0x5: {  	s13 =	simm.s32 $0x0;
	p0 =	por $0x0, $0x0;
	s12 =	simm.s32 $0x0  }
.Ltmp0:
0x6: {  	s11 =	simm.s32 $0x0;
	s8 =	simm.s32 $0x0;
	(pc) =	sbr.rel .LBB1_1-.Ltmp0, $4  }
0x7: {  	s9 =	simm.s32 $0x0;
	s3 =	sadd.s32 $0xC0400, s1;
	s4 =	sshll.u32 s4, $0x4  }
0x8: {  	s1 =	stileid.u32;
	s5 =	sand.u32 $0x10, s4;
	s4 =	simm.s32 $0x1  }
0x9: {  	s7 =	simm.s32 $0x0;
	s5 =	sor.u32 s1, s5;
	[sflag:s4] =	ssyncpa.u1 $0x0  }
0xa: {  	[sflag:s6] =	ssyncpa.u1 $0x0;
	s6 =	simm.s32 $0x1800;
	s10 =	smov.u32 s5  }
.LBB1_5:
0xb: {  	s14 =	sadd.s32 $0x80, s8  }
0xc: {  	s11 =	sadd.s32 $0x80, s9;
	s15 =	smov.u32 s9;
	p2 =	sgt.s32 s14, $0x3FF  }
0xd: {  	s15 =	smov.u32 @p2 s11  }
0xe: {  	s17 =	smov.u32 s10;
	s11 =	sadd.s32 $0x20, s10;
	p3 =	sgt.s32 s15, $0x2FF  }
0xf: {  	p1 =	slt.u32 s7, $0x2;
	s17 =	smov.u32 @p3 s11  }
0x10: {  	s7 =	sadd.s32 $0x1, s7;
	s14 =	simm.s32 @p2 $0x0;
	p2 =	sgt.s32 s17, $0x1F  }
0x11: {  	s17 =	smov.u32 @p2 s5;
	p2 =	sne.s32 s7, $0x32  }
.Ltmp1:
0x12: {  	s16 =	simm.s32 @!p1 $0x2;
	(pc) =	sbr.rel @!p2 .LBB1_6-.Ltmp1, $4  }
0x13: {  	s13 =	smov.u32 s8;
	_ =	swait.ge @!p1 [sflag:s16], $0x4000  }
0x14: {  	s12 =	smov.u32 s9;
	p0 =	por !p0, !p0;
	[sflag:s16] =	ssyncset.done @!p1 $0x0  }
0x15: {  	s8 =	smov.u32 s14;
	s15 =	simm.s32 @p3 $0x0;
	s11 =	smov.u32 s10  }
0x16: {  	[sflag:s16] =	ssyncadd.s32 @!p1 $0xFFFFC000;
	s9 =	smov.u32 s15;
	s10 =	smov.u32 s17  }
.LBB1_1:
0x17: {  	p1 =	sgt.u32 s7, $0x2F  }
0x18: {  	s14 =	sshll.u32 @!p1 s9, $0xA  }
0x19: {  	s15 =	sshll.u32 @!p1 s8, $0x3;
	s14 =	sand.u32 @!p1 $0xFFFFE000, s14  }
0x1a: {  	s14 =	sadd.s32 @!p1 s14, s15  }
0x1b: {  	s14 =	sshrl.u32 @!p1 s14, $0xA  }
0x1c: {  	s15 =	smulhi.u32 @!p1 $0x555556, s14  }
0x1d: {  	s16 =	sshll.u32 @!p1 s9, $0x7;
	s18 =	smul.u32 @!p1 $0x18000, s10  }
0x1e: {  	s17 =	sand.u32 @!p1 $0x78, s8;
	s16 =	sand.u32 @!p1 $0x380, s16;
	s15 =	smul.u32 @!p1 $0x300, s15  }
0x1f: {  	s16 =	sor.u32 @!p1 s17, s16;
	s17 =	sadd.s32 @!p1 s3, s18  }
0x20: {  	s16 =	sshrl.u32 @!p1 s16, $0x3;
	s14 =	ssub.s32 @!p1 s14, s15;
	s15 =	sxor.u32 @!p1 $0xFFFFFFFF, s7  }
0x21: {  	s16 =	sadd.s32 @!p1 s16, s17;
	s17 =	sand.u32 @!p1 $0x7, s8;
	s15 =	sshll.u32 @!p1 s15, $0xE  }
0x22: {  	s17 =	sshll.u32 @!p1 s17, $0x12;
	s14 =	sshll.u32 @!p1 s14, $0x7;
	s15 =	sand.u32 @!p1 $0x4000, s15  }
0x23: {  	s14 =	sadd.s32 @!p1 s14, s16;
	s16 =	sor.u32 @!p1 $0x400, s17;
	s17 =	simm.s32 @!p1 $0x2000  }
0x24: {  	[tilespmem:s15], [sflag:$0x1] =	stream.strided.gather @!p1 [hbm4b:s14+s16], $0x4000, s17, s16, $0x38;
	[tilespmem:$0x10100] =	vst v63  }
0x25: {  	p1 =	seq.s32 s7, $0x0  }
0x26: {  	p2 =	seq.s32 @!p1 s7, $0x31  }
0x27: {  	p1 =	por p1, p2  }
.Ltmp2:
0x28: {  	_ = 	snop;
	(pc) =	sbr.rel @p1 .LBB1_5-.Ltmp2, $1  }
0x29: {  	_ =	sdelay $0x3  }
0x2a: {  	s14 =	simm.s32 $0x1  }
0x2b: {  	_ =	swait.ge [sflag:s4], $0x4000;
	s14 =	simm.s32 @!p0 $0x0  }
0x2c: {  	[sflag:s4] =	ssyncset.done $0x0;
	s15 =	sshll.u32 s14, $0xE  }
0x2d: {  	[sflag:s4] =	ssyncadd.s32 $0xFFFFC000;
	s17 =	sor.u32 $0x40, s15  }
0x2e: {  	s14 =	smul.u32 $0x10200, s14;
	v0 =	vld [tilespmem:s17+$0x30]  }
0x2f: {  	v1 =	vld [tilespmem:s17+$0xFFFFFFD0]  }
0x30: {  	s14 =	sshrl.u32 s14, $0x2;
	v5 =	vld [tilespmem:s17+$0xFFFFFFE0]  }
0x31: {  	v6 =	vld [tilespmem:s17+$0xFFFFFFF0];
	s15 =	sor.u32 $0x8000, s14  }
0x32: {  	s31 =	sand.u32 $0x1, s7;
	v4 =	vld [tilespmem:s17+$0x0];
	s16 =	sadd.s32 $0x0, s15  }
0x33: {  	v3 =	vld [tilespmem:s17+$0x10];
	s14 =	smul.u32 $0x10200, s31;
	[tilespmem:s16+$0x3870 ss:$0x81] =	vst.msk $0xffff, v0  }
0x34: {  	v2 =	vld [tilespmem:s17+$0x20];
	[tilespmem:s16+$0x810 ss:$0x81] =	vst.msk $0xffff, v1  }
0x35: {  	s14 =	sshrl.u32 s14, $0x2;
	v0 =	vld [tilespmem:s17+$0xFFFFFFC0];
	[tilespmem:s16+$0x1020 ss:$0x81] =	vst.msk $0xffff, v5;
	s17 =	sadd.s32 $0x80, s17  }
0x36: {  	s18 =	simm.s32 $0x4;
	s19 =	simm.s32 $0x8;
	s14 =	sor.u32 $0x8000, s14;
	[tilespmem:s16+$0x1830 ss:$0x81] =	vst.msk $0xffff, v6;
	v1 =	vld [tilespmem:s17+$0x30]  }
.LBB1_3:
0x37: {  	p1 =	sne.s32 s19, $0x1FC;
	v5 =	vld [tilespmem:s17+$0xFFFFFFD0];
	[tilespmem:s16+$0x2040 ss:$0x81] =	vst.msk $0xffff, v4  }
0x38: {  	v6 =	vld [tilespmem:s17+$0xFFFFFFE0];
	[tilespmem:s16+$0x2850 ss:$0x81] =	vst.msk $0xffff, v3  }
0x39: {  	s20 =	sshra.s32 s18, $0x2;
	s18 =	smov.u32 s19;
	v7 =	vld [tilespmem:s17+$0xFFFFFFF0];
	[tilespmem:s16+$0x3060 ss:$0x81] =	vst.msk $0xffff, v2  }
.Ltmp3:
0x3a: {  	v4 =	vld [tilespmem:s17+$0x0];
	[tilespmem:s16+$0x0 ss:$0x81] =	vst.msk $0xffff, v0;
	s16 =	sadd.s32 s20, s15;
	(pc) =	sbr.rel @p1 .LBB1_3-.Ltmp3, $4  }
0x3b: {  	v3 =	vld [tilespmem:s17+$0x10];
	[tilespmem:s16+$0x3870 ss:$0x81] =	vst.msk $0xffff, v1  }
0x3c: {  	[tilespmem:s16+$0x810 ss:$0x81] =	vst.msk $0xffff, v5;
	v2 =	vld [tilespmem:s17+$0x20]  }
0x3d: {  	v0 =	vld [tilespmem:s17+$0xFFFFFFC0];
	[tilespmem:s16+$0x1020 ss:$0x81] =	vst.msk $0xffff, v6;
	s17 =	sadd.s32 $0x80, s17  }
0x3e: {  	s19 =	sadd.s32 $0x4, s19;
	v1 =	vld [tilespmem:s17+$0x30];
	[tilespmem:s16+$0x1830 ss:$0x81] =	vst.msk $0xffff, v7  }
0x3f: {  	s19 =	sshrl.u32 s13, $0x3  }
0x40: {  	s20 =	sshll.u32 s12, $0x3;
	s19 =	smul.u32 $0x1800, s19  }
0x41: {  	s27 =	sshll.u32 s13, $0x7;
	s20 =	sand.u32 $0xFFFFFC00, s20  }
0x42: {  	v5 =	vld [tilespmem:s17+$0xFFFFFFD0];
	[tilespmem:s16+$0x2040 ss:$0x81] =	vst.msk $0xffff, v4;
	s13 =	sand.u32 $0x380, s27;
	s19 =	sadd.s32 s20, s19  }
0x43: {  	v58 =	vld [tilespmem:s17+$0xFFFFFFE0];
	s28 =	sand.u32 $0x7F, s12;
	[tilespmem:s16+$0x2850 ss:$0x81] =	vst.msk $0xffff, v3;
	s13 =	sor.u32 s13, s19  }
0x44: {  	s18 =	sshra.s32 s18, $0x2;
	v59 =	vld [tilespmem:s17+$0xFFFFFFF0];
	[tilespmem:s16+$0x3060 ss:$0x81] =	vst.msk $0xffff, v2;
	s12 =	sor.u32 s28, s13;
	s13 =	smulhi.u32 $0xAAAAAAAB, s13  }
0x45: {  	v60 =	vld [tilespmem:s17+$0x0];
	s15 =	sadd.s32 s18, s15;
	[tilespmem:s16+$0x0 ss:$0x81] =	vst.msk $0xffff, v0;
	s29 =	smulhi.u32 $0xAAAAAAAB, s12  }
0x46: {  	v61 =	vld [tilespmem:s17+$0x10];
	[tilespmem:s15+$0x3870 ss:$0x81] =	vst.msk $0xffff, v1  }
0x47: {  	v62 =	vld [tilespmem:s17+$0x20];
	s11 =	smul.u32 $0x18000, s11;
	[tilespmem:s15+$0x810 ss:$0x81] =	vst.msk $0xffff, v5;
	s13 =	sshrl.u32 s13, $0x9;
	s16 =	sshrl.u32 s29, $0x9  }
0x48: {  	v63 =	vld [tilespmem:s17+$0xFFFFFFC0];
	[tilespmem:s15+$0x1020 ss:$0x81] =	vst.msk $0xffff, v58;
	s13 =	sand.u32 $0x3FF, s13;
	s16 =	smul.u32 $0x300, s16  }
0x49: {  	[tilespmem:s15+$0x1830 ss:$0x81] =	vst.msk $0xffff, v59;
	s13 =	smul.u32 $0x60, s13  }
.Ltmp4:
0x4a: {  	[tilespmem:s15+$0x2040 ss:$0x81] =	vst.msk $0xffff, v60;
	s12 =	ssub.s32 s12, s16;
	(pc) =	sbr.rel .LBB1_5-.Ltmp4, $4  }
0x4b: {  	s11 =	sadd.s32 s2, s11;
	[tilespmem:s15+$0x2850 ss:$0x81] =	vst.msk $0xffff, v61;
	s16 =	sand.u32 $0x7, s12  }
0x4c: {  	[tilespmem:s15+$0x3060 ss:$0x81] =	vst.msk $0xffff, v62;
	s11 =	sadd.s32 s13, s11;
	s12 =	sshrl.u32 s12, $0x3;
	s30 =	sshll.u32 s16, $0x12  }
0x4d: {  	[tilespmem:s15+$0x0 ss:$0x81] =	vst.msk $0xffff, v63;
	s11 =	sadd.s32 s12, s11;
	s31 =	sor.u32 $0x400, s30  }
0x4e: {  	[hbm4b:s11+s31] =	stream.strided.scatter [tilespmem:s14], [sflag:$0x2], $0x4000, s6, s31, $0x20;
	[tilespmem:$0x10100] =	vst v63  }
.LBB1_6:
0x4f: {  	_ =	sfence.sel $0x180000  }
0x50: {  	s2 =	simm.s32 $0x1;
	[bflag:$0x0] =	sbarrier.arrive $0xFFFF  }
0x51: {  	s31 =	simm.s32 $0x2;
	[sflag:s2] =	ssyncpa.u1 $0x1  }
0x52: {  	[sflag:s31] =	ssyncpa.u1 $0x1  }
0x53: {  	p0 =	sne.s32 s1, $0x0;
	_ =	strace $0x90000047  }
0x54: {  	s0 =	sadd.s32 @!p0 $0x100000, s0;
	[bflag:$0x2] =	sbarrier.arrive $0xFFFF  }
0x55: {  	[sflag:s0] =	ssyncadd.tile.s32 @!p0 $0x1;
	_ =	shalt  }
.Lfunc_end1:
_tile_overlayer_lowered:
.L_overlay_start_2:
0x56: {  	(tag) =	ssettag $0x2  }
0x57: {  	s0 =	rddreg [dreg:$0x0];
	s2 =	stileid.u32  }
0x58: {  	s1 =	rddreg [dreg:$0x1];
	p0 =	sne.s32 s2, $0x0  }
0x59: {  	s3 =	rddreg [dreg:$0x2];
	[bflag:$0x3] =	sbarrier.arrive $0xFFFF;
	s2 =	simm.s32 @!p0 $0x1C01  }
0x5a: {  	[timem:s3], [sflag:s2] =	dma.local @!p0 [hbm:s0], s1  }
0x5b: {  	s0 =	simm.s32 @!p0 $0x1  }
0x5c: {  	_ =	swait.ge @!p0 [sflag:s0], s1  }
0x5d: {  	s1 =	ssub.s32 @!p0 $0x0, s1;
	[sflag:s0] =	ssyncset.done @!p0 $0x0  }
0x5e: {  	[sflag:s0] =	ssyncadd.s32 @!p0 s1  }
0x5f: {  	[bflag:$0x3] =	sbarrier.arrive $0xFFFF  }
0x60: {  	_ =	shalt  }

</sc_bundles>
